<compile_context>
chip_gen: v7x
topology: tpu7x:2x2x1
jax: 0.10.2.dev20260603
libtpu: 0.0.44.dev20260713+nightly
codegen_flags: <defaults>
</compile_context>

<pallas_src>
import functools

import jax
import jax.numpy as jnp
from jax import lax
from jax.experimental import pallas as pl
from jax.experimental.pallas import tpu as pltpu
from jax.experimental.pallas import tpu_sc as plsc

_B = 16
_NS = 10475
_NO = 50000
_P = 128
_L = 16
_NC = _P // _L
_NPAIR = 2
_S_BASE = 4992
_S_DELTA = 8
_O_BASE = 19968
_O_DELTA = 32
_W = 256


def _sc_min_d2(smplx_t, object_t):
    info = plsc.get_sparse_core_info()
    nc, ns = info.num_cores, info.num_subcores
    nw = nc * ns
    mesh = plsc.VectorSubcoreMesh(core_axis_name="c", subcore_axis_name="s")

    @functools.partial(
        pl.kernel,
        mesh=mesh,
        out_type=jax.ShapeDtypeStruct((nw, _P), jnp.float32),
        scratch_types=[
            pltpu.VMEM((3, 8, _W), jnp.float32),
            pltpu.VMEM((3, 8, _W), jnp.float32),
            pltpu.VMEM((_P,), jnp.float32),
            pltpu.VMEM((_P,), jnp.float32),
            pltpu.VMEM((_P,), jnp.float32),
            pltpu.VMEM((_P,), jnp.float32),
            pltpu.VMEM((_P,), jnp.float32),
            pltpu.VMEM((_P,), jnp.float32),
            pltpu.SemaphoreType.DMA,
        ],
        compiler_params=pltpu.CompilerParams(needs_layout_passes=False),
    )
    def k(s_hbm, o_hbm, out_hbm, sv, ov, md2, abuf, bxb, byb, bzb, s2b, sem):
        wid = lax.axis_index("s") * nc + lax.axis_index("c")
        b = wid // _NPAIR
        p = wid % _NPAIR
        bb = (b // 8) * 8
        r = b - bb
        s_base = p * _S_BASE
        o_base = p * _O_BASE
        s_delta = p * _S_DELTA
        o_delta = p * _O_DELTA
        copies = []
        for kx in range(3):
            copies.append(pltpu.async_copy(
                s_hbm.at[kx, pl.ds(bb, 8), pl.ds(s_base, _W)], sv.at[kx], sem))
            copies.append(pltpu.async_copy(
                o_hbm.at[kx, pl.ds(bb, 8), pl.ds(o_base, _W)], ov.at[kx], sem))
        for cp in copies:
            cp.wait()

        iota = lax.iota(jnp.int32, _L)
        col0 = jnp.zeros((_L,), jnp.int32)
        col1 = col0 + 1
        col2 = col0 + 2
        rvec = jnp.full((_L,), r, jnp.int32)

        def oprep(c, _):
            orows = iota + (c * _L) + o_delta
            ox = plsc.load_gather(ov, [col0, rvec, orows])
            oy = plsc.load_gather(ov, [col1, rvec, orows])
            oz = plsc.load_gather(ov, [col2, rvec, orows])
            abuf[pl.ds(c * _L, _L)] = ox * ox + oy * oy + oz * oz
            bxb[pl.ds(c * _L, _L)] = ox * (-2.0)
            byb[pl.ds(c * _L, _L)] = oy * (-2.0)
            bzb[pl.ds(c * _L, _L)] = oz * (-2.0)
            return 0

        lax.fori_loop(0, _NC, oprep, 0)

        sxs, sys_, szs = [], [], []
        for c in range(_NC):
            srows = iota + (c * _L) + s_delta
            sx = plsc.load_gather(sv, [col0, rvec, srows])
            sy = plsc.load_gather(sv, [col1, rvec, srows])
            sz = plsc.load_gather(sv, [col2, rvec, srows])
            s2b[pl.ds(c * _L, _L)] = sx * sx + sy * sy + sz * sz
            sxs.append(sx)
            sys_.append(sy)
            szs.append(sz)

        inf = jnp.full((_L,), jnp.inf, jnp.float32)

        def body(j, ms):
            ji = jnp.full((_L,), j, jnp.int32)
            a = plsc.load_gather(abuf, [ji])
            bx = plsc.load_gather(bxb, [ji])
            by = plsc.load_gather(byb, [ji])
            bz = plsc.load_gather(bzb, [ji])
            out = []
            for c in range(_NC):
                t = a + bx * sxs[c] + by * sys_[c] + bz * szs[c]
                out.append(jnp.minimum(ms[c], t))
            return tuple(out)

        ms = lax.fori_loop(0, _P, body, (inf,) * _NC)
        for c in range(_NC):
            md2[pl.ds(c * _L, _L)] = ms[c] + s2b[pl.ds(c * _L, _L)]
        pltpu.sync_copy(md2, out_hbm.at[wid])

    return k(smplx_t, object_t)


def _tc_finish(md2):

    def body(x_ref, o_ref):
        d = jnp.sqrt(jnp.maximum(x_ref[...], 0.0))
        o_ref[0, 0] = jnp.sum(d) * (1.0 / (_B * _NPAIR * _P))

    out = pl.pallas_call(
        body,
        out_shape=jax.ShapeDtypeStruct((1, 1), jnp.float32),
        in_specs=[pl.BlockSpec(memory_space=pltpu.VMEM)],
        out_specs=pl.BlockSpec(memory_space=pltpu.SMEM),
    )(md2)
    return out[0, 0]


def kernel(smplx_v_centered, object_v_centered):
    st = jnp.transpose(smplx_v_centered, (2, 0, 1))
    ot = jnp.transpose(object_v_centered, (2, 0, 1))
    md2 = _sc_min_d2(st, ot)
    return _tc_finish(md2)

# --- scband reference (transcript-rebuilt; emitter-appended) ---
"""Pipeline reference for scband-contact-loss-61830349193761 (READ-ONLY COPY).

The authoritative reference and input builder live on the scoring server;
editing this copy changes nothing except your own understanding.
"""

import jax, jax.numpy as jnp
import numpy as np

B = 16
SMPLX_PART_INDICES = {"0": np.arange(0, 128), "1": np.arange(5000, 5128)}
OBJECT_PART_INDICES = {"0": np.arange(0, 128), "1": np.arange(20000, 20128)}
CONTACT_LABELS = [[(0, 0), (1, 1)] for _ in range(B)]


def setup_inputs(seed: int = 0) -> dict:
    key = jax.random.key(seed)
    k1, k2 = jax.random.split(key)
    smplx_v = jax.random.normal(k1, (B, 10475, 3), dtype=jnp.float32)
    object_v = jax.random.normal(k2, (B, 50000, 3), dtype=jnp.float32)
    return {"smplx_v_centered": smplx_v, "object_v_centered": object_v}


def reference(smplx_v_centered, object_v_centered):
    losses = []
    for b_idx in range(smplx_v_centered.shape[0]):
        if len(CONTACT_LABELS[b_idx]) == 0:
            continue
        for parts in CONTACT_LABELS[b_idx]:
            s_idx = jnp.asarray(SMPLX_PART_INDICES[str(parts[0])])
            o_idx = jnp.asarray(OBJECT_PART_INDICES[str(parts[1])])
            sv = jnp.take(smplx_v_centered[b_idx], s_idx, axis=0)
            ov = jnp.take(object_v_centered[b_idx], o_idx, axis=0)
            d = jnp.linalg.norm(sv[:, None, :] - ov[None, :, :], axis=-1)
            losses.append(jnp.min(d, axis=-1).mean())
    if len(losses) == 0:
        return jnp.zeros((1,), dtype=jnp.float32)
    return jnp.stack(losses).mean()

if __name__ == "__main__":
    import jax
    _d = setup_inputs()
    print(jax.jit(kernel)(*tuple(_d.values())))

</pallas_src>

<mosaic_0001>
#map = affine_map<(d0, d1) -> (0, 0, 0)>
#map1 = affine_map<(d0, d1) -> (0, 0)>
module attributes {stable_mosaic.version = 14 : i64} {
  func.func @k(%arg0: i32, %arg1: i32, %arg2: memref<3x16x10475xf32, #tpu.memory_space<hbm>>, %arg3: memref<3x16x50000xf32, #tpu.memory_space<hbm>>, %arg4: memref<32x128xf32, #tpu.memory_space<hbm>>, %arg5: memref<3x8x256xf32, #tpu.memory_space<vmem>>, %arg6: memref<3x8x256xf32, #tpu.memory_space<vmem>>, %arg7: memref<128xf32, #tpu.memory_space<vmem>>, %arg8: memref<128xf32, #tpu.memory_space<vmem>>, %arg9: memref<128xf32, #tpu.memory_space<vmem>>, %arg10: memref<128xf32, #tpu.memory_space<vmem>>, %arg11: memref<128xf32, #tpu.memory_space<vmem>>, %arg12: memref<128xf32, #tpu.memory_space<vmem>>, %arg13: memref<!tpu.dma_semaphore, #tpu.memory_space<semaphore_mem>>) attributes {dimension_semantics = [#tpu.dimension_semantics<core_parallel>, #tpu.dimension_semantics<subcore_parallel>], iteration_bounds = array<i64: 2, 16>, scalar_prefetch = 0 : i64, scratch_operands = 9 : i64, tpu.core_type = #tpu.core_type<sc_vector_subcore>, window_params = [{transform_indices = #map}, {transform_indices = #map}, {transform_indices = #map1}]} {
    %mul3A = arith.constant 2 : i32
    %mul3A_0 = arith.muli %arg1, %mul3A : i32
    %add3A = arith.addi %mul3A_0, %arg0 : i32
    %jit3A = arith.constant 2 : i32
    %div3A = arith.divsi %add3A, %jit3A : i32
    %sign3A = arith.constant 0 : i32
    %sign3A_1 = arith.cmpi sgt, %add3A, %sign3A : i32
    %sign3A_2 = arith.extui %sign3A_1 : i1 to i32
    %sign3A_3 = arith.constant 0 : i32
    %sign3A_4 = arith.cmpi slt, %add3A, %sign3A_3 : i32
    %sign3A_5 = arith.extui %sign3A_4 : i1 to i32
    %sign3A_6 = arith.subi %sign3A_2, %sign3A_5 : i32
    %sign3A_7 = arith.constant 0 : i32
    %sign3A_8 = arith.cmpi sgt, %jit3A, %sign3A_7 : i32
    %sign3A_9 = arith.extui %sign3A_8 : i1 to i32
    %sign3A_10 = arith.constant 0 : i32
    %sign3A_11 = arith.cmpi slt, %jit3A, %sign3A_10 : i32
    %sign3A_12 = arith.extui %sign3A_11 : i1 to i32
    %sign3A_13 = arith.subi %sign3A_9, %sign3A_12 : i32
    %ne3A = arith.cmpi ne, %sign3A_6, %sign3A_13 : i32
    %rem3A = arith.remsi %add3A, %jit3A : i32
    %ne3A_14 = arith.constant 0 : i32
    %ne3A_15 = arith.cmpi ne, %rem3A, %ne3A_14 : i32
    %and3A = arith.andi %ne3A, %ne3A_15 : i1
    %sub3A = arith.constant 1 : i32
    %sub3A_16 = arith.subi %div3A, %sub3A : i32
    %select_n3A = arith.select %and3A, %sub3A_16, %div3A : i32
    %jit3A_17 = arith.constant 2 : i32
    %eq3A = arith.constant 0 : i32
    %eq3A_18 = arith.cmpi eq, %jit3A_17, %eq3A : i32
    %jit3A_19 = arith.constant 1 : i32
    %select_n3A_20 = arith.select %eq3A_18, %jit3A_19, %jit3A_17 : i32
    %rem3A_21 = arith.remsi %add3A, %select_n3A_20 : i32
    %ne3A_22 = arith.constant 0 : i32
    %ne3A_23 = arith.cmpi ne, %rem3A_21, %ne3A_22 : i32
    %lt3A = arith.constant 0 : i32
    %lt3A_24 = arith.cmpi slt, %rem3A_21, %lt3A : i32
    %lt3A_25 = arith.constant 0 : i32
    %lt3A_26 = arith.cmpi slt, %select_n3A_20, %lt3A_25 : i32
    %ne3A_27 = arith.xori %lt3A_24, %lt3A_26 : i1
    %and3A_28 = arith.andi %ne3A_27, %ne3A_23 : i1
    %add3A_29 = arith.addi %rem3A_21, %select_n3A_20 : i32
    %select_n3A_30 = arith.select %and3A_28, %add3A_29, %rem3A_21 : i32
    %jit3A_31 = arith.constant 8 : i32
    %div3A_32 = arith.divsi %select_n3A, %jit3A_31 : i32
    %sign3A_33 = arith.constant 0 : i32
    %sign3A_34 = arith.cmpi sgt, %select_n3A, %sign3A_33 : i32
    %sign3A_35 = arith.extui %sign3A_34 : i1 to i32
    %sign3A_36 = arith.constant 0 : i32
    %sign3A_37 = arith.cmpi slt, %select_n3A, %sign3A_36 : i32
    %sign3A_38 = arith.extui %sign3A_37 : i1 to i32
    %sign3A_39 = arith.subi %sign3A_35, %sign3A_38 : i32
    %sign3A_40 = arith.constant 0 : i32
    %sign3A_41 = arith.cmpi sgt, %jit3A_31, %sign3A_40 : i32
    %sign3A_42 = arith.extui %sign3A_41 : i1 to i32
    %sign3A_43 = arith.constant 0 : i32
    %sign3A_44 = arith.cmpi slt, %jit3A_31, %sign3A_43 : i32
    %sign3A_45 = arith.extui %sign3A_44 : i1 to i32
    %sign3A_46 = arith.subi %sign3A_42, %sign3A_45 : i32
    %ne3A_47 = arith.cmpi ne, %sign3A_39, %sign3A_46 : i32
    %rem3A_48 = arith.remsi %select_n3A, %jit3A_31 : i32
    %ne3A_49 = arith.constant 0 : i32
    %ne3A_50 = arith.cmpi ne, %rem3A_48, %ne3A_49 : i32
    %and3A_51 = arith.andi %ne3A_47, %ne3A_50 : i1
    %sub3A_52 = arith.constant 1 : i32
    %sub3A_53 = arith.subi %div3A_32, %sub3A_52 : i32
    %select_n3A_54 = arith.select %and3A_51, %sub3A_53, %div3A_32 : i32
    %mul3A_55 = arith.constant 8 : i32
    %mul3A_56 = arith.muli %select_n3A_54, %mul3A_55 : i32
    %sub3A_57 = arith.subi %select_n3A, %mul3A_56 : i32
    %mul3A_58 = arith.constant 4992 : i32
    %mul3A_59 = arith.muli %select_n3A_30, %mul3A_58 : i32
    %mul3A_60 = arith.constant 19968 : i32
    %mul3A_61 = arith.muli %select_n3A_30, %mul3A_60 : i32
    %mul3A_62 = arith.constant 8 : i32
    %mul3A_63 = arith.muli %select_n3A_30, %mul3A_62 : i32
    %mul3A_64 = arith.constant 32 : i32
    %mul3A_65 = arith.muli %select_n3A_30, %mul3A_64 : i32
    %dma_start3A = arith.constant 0 : i32
    %dma_start3A_66 = arith.constant 0 : i32
    %dma_start3A_67 = arith.constant 0 : i32
    %dma_start3A_68 = arith.constant 0 : i32
    %dma_start3A_69 = tpu.memref_slice %arg5[%dma_start3A_66, %dma_start3A_67, %dma_start3A_68] : memref<3x8x256xf32, #tpu.memory_space<vmem>> -> memref<1x8x256xf32, #tpu.memory_space<vmem>>
    %dma_start3A_70 = tpu.memref_squeeze %dma_start3A_69 : memref<1x8x256xf32, #tpu.memory_space<vmem>> -> memref<8x256xf32, #tpu.memory_space<vmem>>
    %dma_start3A_71 = tpu.memref_slice %arg2[%dma_start3A, %mul3A_56, %mul3A_59] : memref<3x16x10475xf32, #tpu.memory_space<hbm>> -> memref<1x8x256xf32, #tpu.memory_space<hbm>>
    %dma_start3A_72 = tpu.memref_squeeze %dma_start3A_71 : memref<1x8x256xf32, #tpu.memory_space<hbm>> -> memref<8x256xf32, #tpu.memory_space<hbm>>
    %dma_start3A_73 = arith.constant 0 : i32
    %dma_start3A_74 = arith.constant 0 : i32
    %dma_start3A_75 = tpu.memref_slice %arg5[%dma_start3A_66, %dma_start3A_73, %dma_start3A_74] : memref<3x8x256xf32, #tpu.memory_space<vmem>> -> memref<1x8x256xf32, #tpu.memory_space<vmem>>
    %dma_start3A_76 = tpu.memref_squeeze %dma_start3A_75 : memref<1x8x256xf32, #tpu.memory_space<vmem>> -> memref<8x256xf32, #tpu.memory_space<vmem>>
    %dma_start3A_77 = tpu.memref_slice %arg2[%dma_start3A, %mul3A_56, %mul3A_59] : memref<3x16x10475xf32, #tpu.memory_space<hbm>> -> memref<1x8x256xf32, #tpu.memory_space<hbm>>
    %dma_start3A_78 = tpu.memref_squeeze %dma_start3A_77 : memref<1x8x256xf32, #tpu.memory_space<hbm>> -> memref<8x256xf32, #tpu.memory_space<hbm>>
    tpu.enqueue_dma source(%dma_start3A_78 : memref<8x256xf32, #tpu.memory_space<hbm>>) target(%dma_start3A_76 : memref<8x256xf32, #tpu.memory_space<vmem>>) target_semaphore(%arg13 : memref<!tpu.dma_semaphore, #tpu.memory_space<semaphore_mem>>)
    %dma_start3A_79 = arith.constant 0 : i32
    %dma_start3A_80 = arith.constant 0 : i32
    %dma_start3A_81 = arith.constant 0 : i32
    %dma_start3A_82 = arith.constant 0 : i32
    %dma_start3A_83 = tpu.memref_slice %arg6[%dma_start3A_80, %dma_start3A_81, %dma_start3A_82] : memref<3x8x256xf32, #tpu.memory_space<vmem>> -> memref<1x8x256xf32, #tpu.memory_space<vmem>>
    %dma_start3A_84 = tpu.memref_squeeze %dma_start3A_83 : memref<1x8x256xf32, #tpu.memory_space<vmem>> -> memref<8x256xf32, #tpu.memory_space<vmem>>
    %dma_start3A_85 = tpu.memref_slice %arg3[%dma_start3A_79, %mul3A_56, %mul3A_61] : memref<3x16x50000xf32, #tpu.memory_space<hbm>> -> memref<1x8x256xf32, #tpu.memory_space<hbm>>
    %dma_start3A_86 = tpu.memref_squeeze %dma_start3A_85 : memref<1x8x256xf32, #tpu.memory_space<hbm>> -> memref<8x256xf32, #tpu.memory_space<hbm>>
    %dma_start3A_87 = arith.constant 0 : i32
    %dma_start3A_88 = arith.constant 0 : i32
    %dma_start3A_89 = tpu.memref_slice %arg6[%dma_start3A_80, %dma_start3A_87, %dma_start3A_88] : memref<3x8x256xf32, #tpu.memory_space<vmem>> -> memref<1x8x256xf32, #tpu.memory_space<vmem>>
    %dma_start3A_90 = tpu.memref_squeeze %dma_start3A_89 : memref<1x8x256xf32, #tpu.memory_space<vmem>> -> memref<8x256xf32, #tpu.memory_space<vmem>>
    %dma_start3A_91 = tpu.memref_slice %arg3[%dma_start3A_79, %mul3A_56, %mul3A_61] : memref<3x16x50000xf32, #tpu.memory_space<hbm>> -> memref<1x8x256xf32, #tpu.memory_space<hbm>>
    %dma_start3A_92 = tpu.memref_squeeze %dma_start3A_91 : memref<1x8x256xf32, #tpu.memory_space<hbm>> -> memref<8x256xf32, #tpu.memory_space<hbm>>
    tpu.enqueue_dma source(%dma_start3A_92 : memref<8x256xf32, #tpu.memory_space<hbm>>) target(%dma_start3A_90 : memref<8x256xf32, #tpu.memory_space<vmem>>) target_semaphore(%arg13 : memref<!tpu.dma_semaphore, #tpu.memory_space<semaphore_mem>>)
    %dma_start3A_93 = arith.constant 1 : i32
    %dma_start3A_94 = arith.constant 1 : i32
    %dma_start3A_95 = arith.constant 0 : i32
    %dma_start3A_96 = arith.constant 0 : i32
    %dma_start3A_97 = tpu.memref_slice %arg5[%dma_start3A_94, %dma_start3A_95, %dma_start3A_96] : memref<3x8x256xf32, #tpu.memory_space<vmem>> -> memref<1x8x256xf32, #tpu.memory_space<vmem>>
    %dma_start3A_98 = tpu.memref_squeeze %dma_start3A_97 : memref<1x8x256xf32, #tpu.memory_space<vmem>> -> memref<8x256xf32, #tpu.memory_space<vmem>>
    %dma_start3A_99 = tpu.memref_slice %arg2[%dma_start3A_93, %mul3A_56, %mul3A_59] : memref<3x16x10475xf32, #tpu.memory_space<hbm>> -> memref<1x8x256xf32, #tpu.memory_space<hbm>>
    %dma_start3A_100 = tpu.memref_squeeze %dma_start3A_99 : memref<1x8x256xf32, #tpu.memory_space<hbm>> -> memref<8x256xf32, #tpu.memory_space<hbm>>
    %dma_start3A_101 = arith.constant 0 : i32
    %dma_start3A_102 = arith.constant 0 : i32
    %dma_start3A_103 = tpu.memref_slice %arg5[%dma_start3A_94, %dma_start3A_101, %dma_start3A_102] : memref<3x8x256xf32, #tpu.memory_space<vmem>> -> memref<1x8x256xf32, #tpu.memory_space<vmem>>
    %dma_start3A_104 = tpu.memref_squeeze %dma_start3A_103 : memref<1x8x256xf32, #tpu.memory_space<vmem>> -> memref<8x256xf32, #tpu.memory_space<vmem>>
    %dma_start3A_105 = tpu.memref_slice %arg2[%dma_start3A_93, %mul3A_56, %mul3A_59] : memref<3x16x10475xf32, #tpu.memory_space<hbm>> -> memref<1x8x256xf32, #tpu.memory_space<hbm>>
    %dma_start3A_106 = tpu.memref_squeeze %dma_start3A_105 : memref<1x8x256xf32, #tpu.memory_space<hbm>> -> memref<8x256xf32, #tpu.memory_space<hbm>>
    tpu.enqueue_dma source(%dma_start3A_106 : memref<8x256xf32, #tpu.memory_space<hbm>>) target(%dma_start3A_104 : memref<8x256xf32, #tpu.memory_space<vmem>>) target_semaphore(%arg13 : memref<!tpu.dma_semaphore, #tpu.memory_space<semaphore_mem>>)
    %dma_start3A_107 = arith.constant 1 : i32
    %dma_start3A_108 = arith.constant 1 : i32
    %dma_start3A_109 = arith.constant 0 : i32
    %dma_start3A_110 = arith.constant 0 : i32
    %dma_start3A_111 = tpu.memref_slice %arg6[%dma_start3A_108, %dma_start3A_109, %dma_start3A_110] : memref<3x8x256xf32, #tpu.memory_space<vmem>> -> memref<1x8x256xf32, #tpu.memory_space<vmem>>
    %dma_start3A_112 = tpu.memref_squeeze %dma_start3A_111 : memref<1x8x256xf32, #tpu.memory_space<vmem>> -> memref<8x256xf32, #tpu.memory_space<vmem>>
    %dma_start3A_113 = tpu.memref_slice %arg3[%dma_start3A_107, %mul3A_56, %mul3A_61] : memref<3x16x50000xf32, #tpu.memory_space<hbm>> -> memref<1x8x256xf32, #tpu.memory_space<hbm>>
    %dma_start3A_114 = tpu.memref_squeeze %dma_start3A_113 : memref<1x8x256xf32, #tpu.memory_space<hbm>> -> memref<8x256xf32, #tpu.memory_space<hbm>>
    %dma_start3A_115 = arith.constant 0 : i32
    %dma_start3A_116 = arith.constant 0 : i32
    %dma_start3A_117 = tpu.memref_slice %arg6[%dma_start3A_108, %dma_start3A_115, %dma_start3A_116] : memref<3x8x256xf32, #tpu.memory_space<vmem>> -> memref<1x8x256xf32, #tpu.memory_space<vmem>>
    %dma_start3A_118 = tpu.memref_squeeze %dma_start3A_117 : memref<1x8x256xf32, #tpu.memory_space<vmem>> -> memref<8x256xf32, #tpu.memory_space<vmem>>
    %dma_start3A_119 = tpu.memref_slice %arg3[%dma_start3A_107, %mul3A_56, %mul3A_61] : memref<3x16x50000xf32, #tpu.memory_space<hbm>> -> memref<1x8x256xf32, #tpu.memory_space<hbm>>
    %dma_start3A_120 = tpu.memref_squeeze %dma_start3A_119 : memref<1x8x256xf32, #tpu.memory_space<hbm>> -> memref<8x256xf32, #tpu.memory_space<hbm>>
    tpu.enqueue_dma source(%dma_start3A_120 : memref<8x256xf32, #tpu.memory_space<hbm>>) target(%dma_start3A_118 : memref<8x256xf32, #tpu.memory_space<vmem>>) target_semaphore(%arg13 : memref<!tpu.dma_semaphore, #tpu.memory_space<semaphore_mem>>)
    %dma_start3A_121 = arith.constant 2 : i32
    %dma_start3A_122 = arith.constant 2 : i32
    %dma_start3A_123 = arith.constant 0 : i32
    %dma_start3A_124 = arith.constant 0 : i32
    %dma_start3A_125 = tpu.memref_slice %arg5[%dma_start3A_122, %dma_start3A_123, %dma_start3A_124] : memref<3x8x256xf32, #tpu.memory_space<vmem>> -> memref<1x8x256xf32, #tpu.memory_space<vmem>>
    %dma_start3A_126 = tpu.memref_squeeze %dma_start3A_125 : memref<1x8x256xf32, #tpu.memory_space<vmem>> -> memref<8x256xf32, #tpu.memory_space<vmem>>
    %dma_start3A_127 = tpu.memref_slice %arg2[%dma_start3A_121, %mul3A_56, %mul3A_59] : memref<3x16x10475xf32, #tpu.memory_space<hbm>> -> memref<1x8x256xf32, #tpu.memory_space<hbm>>
    %dma_start3A_128 = tpu.memref_squeeze %dma_start3A_127 : memref<1x8x256xf32, #tpu.memory_space<hbm>> -> memref<8x256xf32, #tpu.memory_space<hbm>>
    %dma_start3A_129 = arith.constant 0 : i32
    %dma_start3A_130 = arith.constant 0 : i32
    %dma_start3A_131 = tpu.memref_slice %arg5[%dma_start3A_122, %dma_start3A_129, %dma_start3A_130] : memref<3x8x256xf32, #tpu.memory_space<vmem>> -> memref<1x8x256xf32, #tpu.memory_space<vmem>>
    %dma_start3A_132 = tpu.memref_squeeze %dma_start3A_131 : memref<1x8x256xf32, #tpu.memory_space<vmem>> -> memref<8x256xf32, #tpu.memory_space<vmem>>
    %dma_start3A_133 = tpu.memref_slice %arg2[%dma_start3A_121, %mul3A_56, %mul3A_59] : memref<3x16x10475xf32, #tpu.memory_space<hbm>> -> memref<1x8x256xf32, #tpu.memory_space<hbm>>
    %dma_start3A_134 = tpu.memref_squeeze %dma_start3A_133 : memref<1x8x256xf32, #tpu.memory_space<hbm>> -> memref<8x256xf32, #tpu.memory_space<hbm>>
    tpu.enqueue_dma source(%dma_start3A_134 : memref<8x256xf32, #tpu.memory_space<hbm>>) target(%dma_start3A_132 : memref<8x256xf32, #tpu.memory_space<vmem>>) target_semaphore(%arg13 : memref<!tpu.dma_semaphore, #tpu.memory_space<semaphore_mem>>)
    %dma_start3A_135 = arith.constant 2 : i32
    %dma_start3A_136 = arith.constant 2 : i32
    %dma_start3A_137 = arith.constant 0 : i32
    %dma_start3A_138 = arith.constant 0 : i32
    %dma_start3A_139 = tpu.memref_slice %arg6[%dma_start3A_136, %dma_start3A_137, %dma_start3A_138] : memref<3x8x256xf32, #tpu.memory_space<vmem>> -> memref<1x8x256xf32, #tpu.memory_space<vmem>>
    %dma_start3A_140 = tpu.memref_squeeze %dma_start3A_139 : memref<1x8x256xf32, #tpu.memory_space<vmem>> -> memref<8x256xf32, #tpu.memory_space<vmem>>
    %dma_start3A_141 = tpu.memref_slice %arg3[%dma_start3A_135, %mul3A_56, %mul3A_61] : memref<3x16x50000xf32, #tpu.memory_space<hbm>> -> memref<1x8x256xf32, #tpu.memory_space<hbm>>
    %dma_start3A_142 = tpu.memref_squeeze %dma_start3A_141 : memref<1x8x256xf32, #tpu.memory_space<hbm>> -> memref<8x256xf32, #tpu.memory_space<hbm>>
    %dma_start3A_143 = arith.constant 0 : i32
    %dma_start3A_144 = arith.constant 0 : i32
    %dma_start3A_145 = tpu.memref_slice %arg6[%dma_start3A_136, %dma_start3A_143, %dma_start3A_144] : memref<3x8x256xf32, #tpu.memory_space<vmem>> -> memref<1x8x256xf32, #tpu.memory_space<vmem>>
    %dma_start3A_146 = tpu.memref_squeeze %dma_start3A_145 : memref<1x8x256xf32, #tpu.memory_space<vmem>> -> memref<8x256xf32, #tpu.memory_space<vmem>>
    %dma_start3A_147 = tpu.memref_slice %arg3[%dma_start3A_135, %mul3A_56, %mul3A_61] : memref<3x16x50000xf32, #tpu.memory_space<hbm>> -> memref<1x8x256xf32, #tpu.memory_space<hbm>>
    %dma_start3A_148 = tpu.memref_squeeze %dma_start3A_147 : memref<1x8x256xf32, #tpu.memory_space<hbm>> -> memref<8x256xf32, #tpu.memory_space<hbm>>
    tpu.enqueue_dma source(%dma_start3A_148 : memref<8x256xf32, #tpu.memory_space<hbm>>) target(%dma_start3A_146 : memref<8x256xf32, #tpu.memory_space<vmem>>) target_semaphore(%arg13 : memref<!tpu.dma_semaphore, #tpu.memory_space<semaphore_mem>>)
    %dma_wait3A = arith.constant 0 : i32
    %dma_wait3A_149 = arith.constant 0 : i32
    %dma_wait3A_150 = arith.constant 0 : i32
    %dma_wait3A_151 = arith.constant 0 : i32
    %dma_wait3A_152 = tpu.memref_slice %arg5[%dma_wait3A_149, %dma_wait3A_150, %dma_wait3A_151] : memref<3x8x256xf32, #tpu.memory_space<vmem>> -> memref<1x8x256xf32, #tpu.memory_space<vmem>>
    %dma_wait3A_153 = tpu.memref_squeeze %dma_wait3A_152 : memref<1x8x256xf32, #tpu.memory_space<vmem>> -> memref<8x256xf32, #tpu.memory_space<vmem>>
    %dma_wait3A_154 = tpu.memref_slice %arg2[%dma_wait3A, %mul3A_56, %mul3A_59] : memref<3x16x10475xf32, #tpu.memory_space<hbm>> -> memref<1x8x256xf32, #tpu.memory_space<hbm>>
    %dma_wait3A_155 = tpu.memref_squeeze %dma_wait3A_154 : memref<1x8x256xf32, #tpu.memory_space<hbm>> -> memref<8x256xf32, #tpu.memory_space<hbm>>
    %dma_wait3A_156 = arith.constant 0 : i32
    %dma_wait3A_157 = arith.constant 0 : i32
    %dma_wait3A_158 = tpu.memref_slice %arg5[%dma_wait3A_149, %dma_wait3A_156, %dma_wait3A_157] : memref<3x8x256xf32, #tpu.memory_space<vmem>> -> memref<1x8x256xf32, #tpu.memory_space<vmem>>
    %dma_wait3A_159 = tpu.memref_squeeze %dma_wait3A_158 : memref<1x8x256xf32, #tpu.memory_space<vmem>> -> memref<8x256xf32, #tpu.memory_space<vmem>>
    %dma_wait3A_160 = tpu.memref_slice %arg2[%dma_wait3A, %mul3A_56, %mul3A_59] : memref<3x16x10475xf32, #tpu.memory_space<hbm>> -> memref<1x8x256xf32, #tpu.memory_space<hbm>>
    %dma_wait3A_161 = tpu.memref_squeeze %dma_wait3A_160 : memref<1x8x256xf32, #tpu.memory_space<hbm>> -> memref<8x256xf32, #tpu.memory_space<hbm>>
    tpu.wait_dma2 semaphore(%arg13 : memref<!tpu.dma_semaphore, #tpu.memory_space<semaphore_mem>>) src(%dma_wait3A_161 : memref<8x256xf32, #tpu.memory_space<hbm>>) dst(%dma_wait3A_159 : memref<8x256xf32, #tpu.memory_space<vmem>>)
    %dma_wait3A_162 = arith.constant 0 : i32
    %dma_wait3A_163 = arith.constant 0 : i32
    %dma_wait3A_164 = arith.constant 0 : i32
    %dma_wait3A_165 = arith.constant 0 : i32
    %dma_wait3A_166 = tpu.memref_slice %arg6[%dma_wait3A_163, %dma_wait3A_164, %dma_wait3A_165] : memref<3x8x256xf32, #tpu.memory_space<vmem>> -> memref<1x8x256xf32, #tpu.memory_space<vmem>>
    %dma_wait3A_167 = tpu.memref_squeeze %dma_wait3A_166 : memref<1x8x256xf32, #tpu.memory_space<vmem>> -> memref<8x256xf32, #tpu.memory_space<vmem>>
    %dma_wait3A_168 = tpu.memref_slice %arg3[%dma_wait3A_162, %mul3A_56, %mul3A_61] : memref<3x16x50000xf32, #tpu.memory_space<hbm>> -> memref<1x8x256xf32, #tpu.memory_space<hbm>>
    %dma_wait3A_169 = tpu.memref_squeeze %dma_wait3A_168 : memref<1x8x256xf32, #tpu.memory_space<hbm>> -> memref<8x256xf32, #tpu.memory_space<hbm>>
    %dma_wait3A_170 = arith.constant 0 : i32
    %dma_wait3A_171 = arith.constant 0 : i32
    %dma_wait3A_172 = tpu.memref_slice %arg6[%dma_wait3A_163, %dma_wait3A_170, %dma_wait3A_171] : memref<3x8x256xf32, #tpu.memory_space<vmem>> -> memref<1x8x256xf32, #tpu.memory_space<vmem>>
    %dma_wait3A_173 = tpu.memref_squeeze %dma_wait3A_172 : memref<1x8x256xf32, #tpu.memory_space<vmem>> -> memref<8x256xf32, #tpu.memory_space<vmem>>
    %dma_wait3A_174 = tpu.memref_slice %arg3[%dma_wait3A_162, %mul3A_56, %mul3A_61] : memref<3x16x50000xf32, #tpu.memory_space<hbm>> -> memref<1x8x256xf32, #tpu.memory_space<hbm>>
    %dma_wait3A_175 = tpu.memref_squeeze %dma_wait3A_174 : memref<1x8x256xf32, #tpu.memory_space<hbm>> -> memref<8x256xf32, #tpu.memory_space<hbm>>
    tpu.wait_dma2 semaphore(%arg13 : memref<!tpu.dma_semaphore, #tpu.memory_space<semaphore_mem>>) src(%dma_wait3A_175 : memref<8x256xf32, #tpu.memory_space<hbm>>) dst(%dma_wait3A_173 : memref<8x256xf32, #tpu.memory_space<vmem>>)
    %dma_wait3A_176 = arith.constant 1 : i32
    %dma_wait3A_177 = arith.constant 1 : i32
    %dma_wait3A_178 = arith.constant 0 : i32
    %dma_wait3A_179 = arith.constant 0 : i32
    %dma_wait3A_180 = tpu.memref_slice %arg5[%dma_wait3A_177, %dma_wait3A_178, %dma_wait3A_179] : memref<3x8x256xf32, #tpu.memory_space<vmem>> -> memref<1x8x256xf32, #tpu.memory_space<vmem>>
    %dma_wait3A_181 = tpu.memref_squeeze %dma_wait3A_180 : memref<1x8x256xf32, #tpu.memory_space<vmem>> -> memref<8x256xf32, #tpu.memory_space<vmem>>
    %dma_wait3A_182 = tpu.memref_slice %arg2[%dma_wait3A_176, %mul3A_56, %mul3A_59] : memref<3x16x10475xf32, #tpu.memory_space<hbm>> -> memref<1x8x256xf32, #tpu.memory_space<hbm>>
    %dma_wait3A_183 = tpu.memref_squeeze %dma_wait3A_182 : memref<1x8x256xf32, #tpu.memory_space<hbm>> -> memref<8x256xf32, #tpu.memory_space<hbm>>
    %dma_wait3A_184 = arith.constant 0 : i32
    %dma_wait3A_185 = arith.constant 0 : i32
    %dma_wait3A_186 = tpu.memref_slice %arg5[%dma_wait3A_177, %dma_wait3A_184, %dma_wait3A_185] : memref<3x8x256xf32, #tpu.memory_space<vmem>> -> memref<1x8x256xf32, #tpu.memory_space<vmem>>
    %dma_wait3A_187 = tpu.memref_squeeze %dma_wait3A_186 : memref<1x8x256xf32, #tpu.memory_space<vmem>> -> memref<8x256xf32, #tpu.memory_space<vmem>>
    %dma_wait3A_188 = tpu.memref_slice %arg2[%dma_wait3A_176, %mul3A_56, %mul3A_59] : memref<3x16x10475xf32, #tpu.memory_space<hbm>> -> memref<1x8x256xf32, #tpu.memory_space<hbm>>
    %dma_wait3A_189 = tpu.memref_squeeze %dma_wait3A_188 : memref<1x8x256xf32, #tpu.memory_space<hbm>> -> memref<8x256xf32, #tpu.memory_space<hbm>>
    tpu.wait_dma2 semaphore(%arg13 : memref<!tpu.dma_semaphore, #tpu.memory_space<semaphore_mem>>) src(%dma_wait3A_189 : memref<8x256xf32, #tpu.memory_space<hbm>>) dst(%dma_wait3A_187 : memref<8x256xf32, #tpu.memory_space<vmem>>)
    %dma_wait3A_190 = arith.constant 1 : i32
    %dma_wait3A_191 = arith.constant 1 : i32
    %dma_wait3A_192 = arith.constant 0 : i32
    %dma_wait3A_193 = arith.constant 0 : i32
    %dma_wait3A_194 = tpu.memref_slice %arg6[%dma_wait3A_191, %dma_wait3A_192, %dma_wait3A_193] : memref<3x8x256xf32, #tpu.memory_space<vmem>> -> memref<1x8x256xf32, #tpu.memory_space<vmem>>
    %dma_wait3A_195 = tpu.memref_squeeze %dma_wait3A_194 : memref<1x8x256xf32, #tpu.memory_space<vmem>> -> memref<8x256xf32, #tpu.memory_space<vmem>>
    %dma_wait3A_196 = tpu.memref_slice %arg3[%dma_wait3A_190, %mul3A_56, %mul3A_61] : memref<3x16x50000xf32, #tpu.memory_space<hbm>> -> memref<1x8x256xf32, #tpu.memory_space<hbm>>
    %dma_wait3A_197 = tpu.memref_squeeze %dma_wait3A_196 : memref<1x8x256xf32, #tpu.memory_space<hbm>> -> memref<8x256xf32, #tpu.memory_space<hbm>>
    %dma_wait3A_198 = arith.constant 0 : i32
    %dma_wait3A_199 = arith.constant 0 : i32
    %dma_wait3A_200 = tpu.memref_slice %arg6[%dma_wait3A_191, %dma_wait3A_198, %dma_wait3A_199] : memref<3x8x256xf32, #tpu.memory_space<vmem>> -> memref<1x8x256xf32, #tpu.memory_space<vmem>>
    %dma_wait3A_201 = tpu.memref_squeeze %dma_wait3A_200 : memref<1x8x256xf32, #tpu.memory_space<vmem>> -> memref<8x256xf32, #tpu.memory_space<vmem>>
    %dma_wait3A_202 = tpu.memref_slice %arg3[%dma_wait3A_190, %mul3A_56, %mul3A_61] : memref<3x16x50000xf32, #tpu.memory_space<hbm>> -> memref<1x8x256xf32, #tpu.memory_space<hbm>>
    %dma_wait3A_203 = tpu.memref_squeeze %dma_wait3A_202 : memref<1x8x256xf32, #tpu.memory_space<hbm>> -> memref<8x256xf32, #tpu.memory_space<hbm>>
    tpu.wait_dma2 semaphore(%arg13 : memref<!tpu.dma_semaphore, #tpu.memory_space<semaphore_mem>>) src(%dma_wait3A_203 : memref<8x256xf32, #tpu.memory_space<hbm>>) dst(%dma_wait3A_201 : memref<8x256xf32, #tpu.memory_space<vmem>>)
    %dma_wait3A_204 = arith.constant 2 : i32
    %dma_wait3A_205 = arith.constant 2 : i32
    %dma_wait3A_206 = arith.constant 0 : i32
    %dma_wait3A_207 = arith.constant 0 : i32
    %dma_wait3A_208 = tpu.memref_slice %arg5[%dma_wait3A_205, %dma_wait3A_206, %dma_wait3A_207] : memref<3x8x256xf32, #tpu.memory_space<vmem>> -> memref<1x8x256xf32, #tpu.memory_space<vmem>>
    %dma_wait3A_209 = tpu.memref_squeeze %dma_wait3A_208 : memref<1x8x256xf32, #tpu.memory_space<vmem>> -> memref<8x256xf32, #tpu.memory_space<vmem>>
    %dma_wait3A_210 = tpu.memref_slice %arg2[%dma_wait3A_204, %mul3A_56, %mul3A_59] : memref<3x16x10475xf32, #tpu.memory_space<hbm>> -> memref<1x8x256xf32, #tpu.memory_space<hbm>>
    %dma_wait3A_211 = tpu.memref_squeeze %dma_wait3A_210 : memref<1x8x256xf32, #tpu.memory_space<hbm>> -> memref<8x256xf32, #tpu.memory_space<hbm>>
    %dma_wait3A_212 = arith.constant 0 : i32
    %dma_wait3A_213 = arith.constant 0 : i32
    %dma_wait3A_214 = tpu.memref_slice %arg5[%dma_wait3A_205, %dma_wait3A_212, %dma_wait3A_213] : memref<3x8x256xf32, #tpu.memory_space<vmem>> -> memref<1x8x256xf32, #tpu.memory_space<vmem>>
    %dma_wait3A_215 = tpu.memref_squeeze %dma_wait3A_214 : memref<1x8x256xf32, #tpu.memory_space<vmem>> -> memref<8x256xf32, #tpu.memory_space<vmem>>
    %dma_wait3A_216 = tpu.memref_slice %arg2[%dma_wait3A_204, %mul3A_56, %mul3A_59] : memref<3x16x10475xf32, #tpu.memory_space<hbm>> -> memref<1x8x256xf32, #tpu.memory_space<hbm>>
    %dma_wait3A_217 = tpu.memref_squeeze %dma_wait3A_216 : memref<1x8x256xf32, #tpu.memory_space<hbm>> -> memref<8x256xf32, #tpu.memory_space<hbm>>
    tpu.wait_dma2 semaphore(%arg13 : memref<!tpu.dma_semaphore, #tpu.memory_space<semaphore_mem>>) src(%dma_wait3A_217 : memref<8x256xf32, #tpu.memory_space<hbm>>) dst(%dma_wait3A_215 : memref<8x256xf32, #tpu.memory_space<vmem>>)
    %dma_wait3A_218 = arith.constant 2 : i32
    %dma_wait3A_219 = arith.constant 2 : i32
    %dma_wait3A_220 = arith.constant 0 : i32
    %dma_wait3A_221 = arith.constant 0 : i32
    %dma_wait3A_222 = tpu.memref_slice %arg6[%dma_wait3A_219, %dma_wait3A_220, %dma_wait3A_221] : memref<3x8x256xf32, #tpu.memory_space<vmem>> -> memref<1x8x256xf32, #tpu.memory_space<vmem>>
    %dma_wait3A_223 = tpu.memref_squeeze %dma_wait3A_222 : memref<1x8x256xf32, #tpu.memory_space<vmem>> -> memref<8x256xf32, #tpu.memory_space<vmem>>
    %dma_wait3A_224 = tpu.memref_slice %arg3[%dma_wait3A_218, %mul3A_56, %mul3A_61] : memref<3x16x50000xf32, #tpu.memory_space<hbm>> -> memref<1x8x256xf32, #tpu.memory_space<hbm>>
    %dma_wait3A_225 = tpu.memref_squeeze %dma_wait3A_224 : memref<1x8x256xf32, #tpu.memory_space<hbm>> -> memref<8x256xf32, #tpu.memory_space<hbm>>
    %dma_wait3A_226 = arith.constant 0 : i32
    %dma_wait3A_227 = arith.constant 0 : i32
    %dma_wait3A_228 = tpu.memref_slice %arg6[%dma_wait3A_219, %dma_wait3A_226, %dma_wait3A_227] : memref<3x8x256xf32, #tpu.memory_space<vmem>> -> memref<1x8x256xf32, #tpu.memory_space<vmem>>
    %dma_wait3A_229 = tpu.memref_squeeze %dma_wait3A_228 : memref<1x8x256xf32, #tpu.memory_space<vmem>> -> memref<8x256xf32, #tpu.memory_space<vmem>>
    %dma_wait3A_230 = tpu.memref_slice %arg3[%dma_wait3A_218, %mul3A_56, %mul3A_61] : memref<3x16x50000xf32, #tpu.memory_space<hbm>> -> memref<1x8x256xf32, #tpu.memory_space<hbm>>
    %dma_wait3A_231 = tpu.memref_squeeze %dma_wait3A_230 : memref<1x8x256xf32, #tpu.memory_space<hbm>> -> memref<8x256xf32, #tpu.memory_space<hbm>>
    tpu.wait_dma2 semaphore(%arg13 : memref<!tpu.dma_semaphore, #tpu.memory_space<semaphore_mem>>) src(%dma_wait3A_231 : memref<8x256xf32, #tpu.memory_space<hbm>>) dst(%dma_wait3A_229 : memref<8x256xf32, #tpu.memory_space<vmem>>)
    %iota3A = tpu.iota {dimensions = array<i32: 0>} : vector<16xi32>
    %broadcast_in_dim3A = arith.constant 0 : i32
    %broadcast_in_dim3A_232 = vector.broadcast %broadcast_in_dim3A : i32 to vector<16xi32>
    %add3A_233 = arith.constant 1 : i32
    %add3A_234 = vector.broadcast %add3A_233 : i32 to vector<16xi32>
    %add3A_235 = arith.addi %broadcast_in_dim3A_232, %add3A_234 : vector<16xi32>
    %add3A_236 = arith.constant 2 : i32
    %add3A_237 = vector.broadcast %add3A_236 : i32 to vector<16xi32>
    %add3A_238 = arith.addi %broadcast_in_dim3A_232, %add3A_237 : vector<16xi32>
    %broadcast_in_dim3A_239 = vector.broadcast %sub3A_57 : i32 to vector<16xi32>
    %scan3A = arith.constant 0 : i32
    %scan3A_240 = arith.constant 0 : i32
    %scan3A_241 = arith.constant 8 : i32
    %scan3A_242 = arith.addi %scan3A_240, %scan3A_241 : i32
    %scan3A_243 = arith.constant 1 : i32
    %scan3A_244 = scf.for %scan3A_411 = %scan3A_240 to %scan3A_242 step %scan3A_243 iter_args(%scan3A_412 = %scan3A) -> (i32)  : i32 {
      %mul3A_413 = arith.constant 16 : i32
      %mul3A_414 = arith.muli %scan3A_411, %mul3A_413 : i32
      %add3A_415 = vector.broadcast %mul3A_414 : i32 to vector<16xi32>
      %add3A_416 = arith.addi %iota3A, %add3A_415 : vector<16xi32>
      %add3A_417 = vector.broadcast %mul3A_65 : i32 to vector<16xi32>
      %add3A_418 = arith.addi %add3A_416, %add3A_417 : vector<16xi32>
      %gather3A_419 = tpu.vector_load_idx %arg6[%broadcast_in_dim3A_232, %broadcast_in_dim3A_239, %add3A_418] : memref<3x8x256xf32, #tpu.memory_space<vmem>>[vector<16xi32>, vector<16xi32>, vector<16xi32>], vector<16xf32>,
      %gather3A_420 = tpu.vector_load_idx %arg6[%add3A_235, %broadcast_in_dim3A_239, %add3A_418] : memref<3x8x256xf32, #tpu.memory_space<vmem>>[vector<16xi32>, vector<16xi32>, vector<16xi32>], vector<16xf32>,
      %gather3A_421 = tpu.vector_load_idx %arg6[%add3A_238, %broadcast_in_dim3A_239, %add3A_418] : memref<3x8x256xf32, #tpu.memory_space<vmem>>[vector<16xi32>, vector<16xi32>, vector<16xi32>], vector<16xf32>,
      %mul3A_422 = arith.mulf %gather3A_419, %gather3A_419 : vector<16xf32>
      %mul3A_423 = arith.mulf %gather3A_420, %gather3A_420 : vector<16xf32>
      %add3A_424 = arith.addf %mul3A_422, %mul3A_423 : vector<16xf32>
      %mul3A_425 = arith.mulf %gather3A_421, %gather3A_421 : vector<16xf32>
      %add3A_426 = arith.addf %add3A_424, %mul3A_425 : vector<16xf32>
      %mul3A_427 = arith.constant 16 : i32
      %mul3A_428 = arith.muli %scan3A_411, %mul3A_427 : i32
      %swap3A_429 = arith.index_cast %mul3A_428 : i32 to index
      %swap3A_430 = tpu.vector_load %arg8[%swap3A_429] {strides = array<i32>} : memref<128xf32, #tpu.memory_space<vmem>>, vector<16xf32>,
      tpu.vector_store %arg8[%swap3A_429], %add3A_426 {strides = array<i32>} : memref<128xf32, #tpu.memory_space<vmem>>, vector<16xf32>,
      %mul3A_431 = arith.constant -2.000000e+00 : f32
      %mul3A_432 = vector.broadcast %mul3A_431 : f32 to vector<16xf32>
      %mul3A_433 = arith.mulf %gather3A_419, %mul3A_432 : vector<16xf32>
      %mul3A_434 = arith.constant 16 : i32
      %mul3A_435 = arith.muli %scan3A_411, %mul3A_434 : i32
      %swap3A_436 = arith.index_cast %mul3A_435 : i32 to index
      %swap3A_437 = tpu.vector_load %arg9[%swap3A_436] {strides = array<i32>} : memref<128xf32, #tpu.memory_space<vmem>>, vector<16xf32>,
      tpu.vector_store %arg9[%swap3A_436], %mul3A_433 {strides = array<i32>} : memref<128xf32, #tpu.memory_space<vmem>>, vector<16xf32>,
      %mul3A_438 = arith.constant -2.000000e+00 : f32
      %mul3A_439 = vector.broadcast %mul3A_438 : f32 to vector<16xf32>
      %mul3A_440 = arith.mulf %gather3A_420, %mul3A_439 : vector<16xf32>
      %mul3A_441 = arith.constant 16 : i32
      %mul3A_442 = arith.muli %scan3A_411, %mul3A_441 : i32
      %swap3A_443 = arith.index_cast %mul3A_442 : i32 to index
      %swap3A_444 = tpu.vector_load %arg10[%swap3A_443] {strides = array<i32>} : memref<128xf32, #tpu.memory_space<vmem>>, vector<16xf32>,
      tpu.vector_store %arg10[%swap3A_443], %mul3A_440 {strides = array<i32>} : memref<128xf32, #tpu.memory_space<vmem>>, vector<16xf32>,
      %mul3A_445 = arith.constant -2.000000e+00 : f32
      %mul3A_446 = vector.broadcast %mul3A_445 : f32 to vector<16xf32>
      %mul3A_447 = arith.mulf %gather3A_421, %mul3A_446 : vector<16xf32>
      %mul3A_448 = arith.constant 16 : i32
      %mul3A_449 = arith.muli %scan3A_411, %mul3A_448 : i32
      %swap3A_450 = arith.index_cast %mul3A_449 : i32 to index
      %swap3A_451 = tpu.vector_load %arg11[%swap3A_450] {strides = array<i32>} : memref<128xf32, #tpu.memory_space<vmem>>, vector<16xf32>,
      tpu.vector_store %arg11[%swap3A_450], %mul3A_447 {strides = array<i32>} : memref<128xf32, #tpu.memory_space<vmem>>, vector<16xf32>,
      %scan3A_452 = arith.constant 0 : i32
      scf.yield %scan3A_452 : i32
    }
    %scan3A_245 = arith.constant 8 : i32
    %add3A_246 = arith.constant 0 : i32
    %add3A_247 = vector.broadcast %add3A_246 : i32 to vector<16xi32>
    %add3A_248 = arith.addi %iota3A, %add3A_247 : vector<16xi32>
    %add3A_249 = vector.broadcast %mul3A_63 : i32 to vector<16xi32>
    %add3A_250 = arith.addi %add3A_248, %add3A_249 : vector<16xi32>
    %gather3A = tpu.vector_load_idx %arg5[%broadcast_in_dim3A_232, %broadcast_in_dim3A_239, %add3A_250] : memref<3x8x256xf32, #tpu.memory_space<vmem>>[vector<16xi32>, vector<16xi32>, vector<16xi32>], vector<16xf32>,
    %gather3A_251 = tpu.vector_load_idx %arg5[%add3A_235, %broadcast_in_dim3A_239, %add3A_250] : memref<3x8x256xf32, #tpu.memory_space<vmem>>[vector<16xi32>, vector<16xi32>, vector<16xi32>], vector<16xf32>,
    %gather3A_252 = tpu.vector_load_idx %arg5[%add3A_238, %broadcast_in_dim3A_239, %add3A_250] : memref<3x8x256xf32, #tpu.memory_space<vmem>>[vector<16xi32>, vector<16xi32>, vector<16xi32>], vector<16xf32>,
    %mul3A_253 = arith.mulf %gather3A, %gather3A : vector<16xf32>
    %mul3A_254 = arith.mulf %gather3A_251, %gather3A_251 : vector<16xf32>
    %add3A_255 = arith.addf %mul3A_253, %mul3A_254 : vector<16xf32>
    %mul3A_256 = arith.mulf %gather3A_252, %gather3A_252 : vector<16xf32>
    %add3A_257 = arith.addf %add3A_255, %mul3A_256 : vector<16xf32>
    %swap3A = arith.constant 0 : index
    %swap3A_258 = tpu.vector_load %arg12[%swap3A] {strides = array<i32>} : memref<128xf32, #tpu.memory_space<vmem>>, vector<16xf32>,
    tpu.vector_store %arg12[%swap3A], %add3A_257 {strides = array<i32>} : memref<128xf32, #tpu.memory_space<vmem>>, vector<16xf32>,
    %add3A_259 = arith.constant 16 : i32
    %add3A_260 = vector.broadcast %add3A_259 : i32 to vector<16xi32>
    %add3A_261 = arith.addi %iota3A, %add3A_260 : vector<16xi32>
    %add3A_262 = vector.broadcast %mul3A_63 : i32 to vector<16xi32>
    %add3A_263 = arith.addi %add3A_261, %add3A_262 : vector<16xi32>
    %gather3A_264 = tpu.vector_load_idx %arg5[%broadcast_in_dim3A_232, %broadcast_in_dim3A_239, %add3A_263] : memref<3x8x256xf32, #tpu.memory_space<vmem>>[vector<16xi32>, vector<16xi32>, vector<16xi32>], vector<16xf32>,
    %gather3A_265 = tpu.vector_load_idx %arg5[%add3A_235, %broadcast_in_dim3A_239, %add3A_263] : memref<3x8x256xf32, #tpu.memory_space<vmem>>[vector<16xi32>, vector<16xi32>, vector<16xi32>], vector<16xf32>,
    %gather3A_266 = tpu.vector_load_idx %arg5[%add3A_238, %broadcast_in_dim3A_239, %add3A_263] : memref<3x8x256xf32, #tpu.memory_space<vmem>>[vector<16xi32>, vector<16xi32>, vector<16xi32>], vector<16xf32>,
    %mul3A_267 = arith.mulf %gather3A_264, %gather3A_264 : vector<16xf32>
    %mul3A_268 = arith.mulf %gather3A_265, %gather3A_265 : vector<16xf32>
    %add3A_269 = arith.addf %mul3A_267, %mul3A_268 : vector<16xf32>
    %mul3A_270 = arith.mulf %gather3A_266, %gather3A_266 : vector<16xf32>
    %add3A_271 = arith.addf %add3A_269, %mul3A_270 : vector<16xf32>
    %swap3A_272 = arith.constant 16 : index
    %swap3A_273 = tpu.vector_load %arg12[%swap3A_272] {strides = array<i32>} : memref<128xf32, #tpu.memory_space<vmem>>, vector<16xf32>,
    tpu.vector_store %arg12[%swap3A_272], %add3A_271 {strides = array<i32>} : memref<128xf32, #tpu.memory_space<vmem>>, vector<16xf32>,
    %add3A_274 = arith.constant 32 : i32
    %add3A_275 = vector.broadcast %add3A_274 : i32 to vector<16xi32>
    %add3A_276 = arith.addi %iota3A, %add3A_275 : vector<16xi32>
    %add3A_277 = vector.broadcast %mul3A_63 : i32 to vector<16xi32>
    %add3A_278 = arith.addi %add3A_276, %add3A_277 : vector<16xi32>
    %gather3A_279 = tpu.vector_load_idx %arg5[%broadcast_in_dim3A_232, %broadcast_in_dim3A_239, %add3A_278] : memref<3x8x256xf32, #tpu.memory_space<vmem>>[vector<16xi32>, vector<16xi32>, vector<16xi32>], vector<16xf32>,
    %gather3A_280 = tpu.vector_load_idx %arg5[%add3A_235, %broadcast_in_dim3A_239, %add3A_278] : memref<3x8x256xf32, #tpu.memory_space<vmem>>[vector<16xi32>, vector<16xi32>, vector<16xi32>], vector<16xf32>,
    %gather3A_281 = tpu.vector_load_idx %arg5[%add3A_238, %broadcast_in_dim3A_239, %add3A_278] : memref<3x8x256xf32, #tpu.memory_space<vmem>>[vector<16xi32>, vector<16xi32>, vector<16xi32>], vector<16xf32>,
    %mul3A_282 = arith.mulf %gather3A_279, %gather3A_279 : vector<16xf32>
    %mul3A_283 = arith.mulf %gather3A_280, %gather3A_280 : vector<16xf32>
    %add3A_284 = arith.addf %mul3A_282, %mul3A_283 : vector<16xf32>
    %mul3A_285 = arith.mulf %gather3A_281, %gather3A_281 : vector<16xf32>
    %add3A_286 = arith.addf %add3A_284, %mul3A_285 : vector<16xf32>
    %swap3A_287 = arith.constant 32 : index
    %swap3A_288 = tpu.vector_load %arg12[%swap3A_287] {strides = array<i32>} : memref<128xf32, #tpu.memory_space<vmem>>, vector<16xf32>,
    tpu.vector_store %arg12[%swap3A_287], %add3A_286 {strides = array<i32>} : memref<128xf32, #tpu.memory_space<vmem>>, vector<16xf32>,
    %add3A_289 = arith.constant 48 : i32
    %add3A_290 = vector.broadcast %add3A_289 : i32 to vector<16xi32>
    %add3A_291 = arith.addi %iota3A, %add3A_290 : vector<16xi32>
    %add3A_292 = vector.broadcast %mul3A_63 : i32 to vector<16xi32>
    %add3A_293 = arith.addi %add3A_291, %add3A_292 : vector<16xi32>
    %gather3A_294 = tpu.vector_load_idx %arg5[%broadcast_in_dim3A_232, %broadcast_in_dim3A_239, %add3A_293] : memref<3x8x256xf32, #tpu.memory_space<vmem>>[vector<16xi32>, vector<16xi32>, vector<16xi32>], vector<16xf32>,
    %gather3A_295 = tpu.vector_load_idx %arg5[%add3A_235, %broadcast_in_dim3A_239, %add3A_293] : memref<3x8x256xf32, #tpu.memory_space<vmem>>[vector<16xi32>, vector<16xi32>, vector<16xi32>], vector<16xf32>,
    %gather3A_296 = tpu.vector_load_idx %arg5[%add3A_238, %broadcast_in_dim3A_239, %add3A_293] : memref<3x8x256xf32, #tpu.memory_space<vmem>>[vector<16xi32>, vector<16xi32>, vector<16xi32>], vector<16xf32>,
    %mul3A_297 = arith.mulf %gather3A_294, %gather3A_294 : vector<16xf32>
    %mul3A_298 = arith.mulf %gather3A_295, %gather3A_295 : vector<16xf32>
    %add3A_299 = arith.addf %mul3A_297, %mul3A_298 : vector<16xf32>
    %mul3A_300 = arith.mulf %gather3A_296, %gather3A_296 : vector<16xf32>
    %add3A_301 = arith.addf %add3A_299, %mul3A_300 : vector<16xf32>
    %swap3A_302 = arith.constant 48 : index
    %swap3A_303 = tpu.vector_load %arg12[%swap3A_302] {strides = array<i32>} : memref<128xf32, #tpu.memory_space<vmem>>, vector<16xf32>,
    tpu.vector_store %arg12[%swap3A_302], %add3A_301 {strides = array<i32>} : memref<128xf32, #tpu.memory_space<vmem>>, vector<16xf32>,
    %add3A_304 = arith.constant 64 : i32
    %add3A_305 = vector.broadcast %add3A_304 : i32 to vector<16xi32>
    %add3A_306 = arith.addi %iota3A, %add3A_305 : vector<16xi32>
    %add3A_307 = vector.broadcast %mul3A_63 : i32 to vector<16xi32>
    %add3A_308 = arith.addi %add3A_306, %add3A_307 : vector<16xi32>
    %gather3A_309 = tpu.vector_load_idx %arg5[%broadcast_in_dim3A_232, %broadcast_in_dim3A_239, %add3A_308] : memref<3x8x256xf32, #tpu.memory_space<vmem>>[vector<16xi32>, vector<16xi32>, vector<16xi32>], vector<16xf32>,
    %gather3A_310 = tpu.vector_load_idx %arg5[%add3A_235, %broadcast_in_dim3A_239, %add3A_308] : memref<3x8x256xf32, #tpu.memory_space<vmem>>[vector<16xi32>, vector<16xi32>, vector<16xi32>], vector<16xf32>,
    %gather3A_311 = tpu.vector_load_idx %arg5[%add3A_238, %broadcast_in_dim3A_239, %add3A_308] : memref<3x8x256xf32, #tpu.memory_space<vmem>>[vector<16xi32>, vector<16xi32>, vector<16xi32>], vector<16xf32>,
    %mul3A_312 = arith.mulf %gather3A_309, %gather3A_309 : vector<16xf32>
    %mul3A_313 = arith.mulf %gather3A_310, %gather3A_310 : vector<16xf32>
    %add3A_314 = arith.addf %mul3A_312, %mul3A_313 : vector<16xf32>
    %mul3A_315 = arith.mulf %gather3A_311, %gather3A_311 : vector<16xf32>
    %add3A_316 = arith.addf %add3A_314, %mul3A_315 : vector<16xf32>
    %swap3A_317 = arith.constant 64 : index
    %swap3A_318 = tpu.vector_load %arg12[%swap3A_317] {strides = array<i32>} : memref<128xf32, #tpu.memory_space<vmem>>, vector<16xf32>,
    tpu.vector_store %arg12[%swap3A_317], %add3A_316 {strides = array<i32>} : memref<128xf32, #tpu.memory_space<vmem>>, vector<16xf32>,
    %add3A_319 = arith.constant 80 : i32
    %add3A_320 = vector.broadcast %add3A_319 : i32 to vector<16xi32>
    %add3A_321 = arith.addi %iota3A, %add3A_320 : vector<16xi32>
    %add3A_322 = vector.broadcast %mul3A_63 : i32 to vector<16xi32>
    %add3A_323 = arith.addi %add3A_321, %add3A_322 : vector<16xi32>
    %gather3A_324 = tpu.vector_load_idx %arg5[%broadcast_in_dim3A_232, %broadcast_in_dim3A_239, %add3A_323] : memref<3x8x256xf32, #tpu.memory_space<vmem>>[vector<16xi32>, vector<16xi32>, vector<16xi32>], vector<16xf32>,
    %gather3A_325 = tpu.vector_load_idx %arg5[%add3A_235, %broadcast_in_dim3A_239, %add3A_323] : memref<3x8x256xf32, #tpu.memory_space<vmem>>[vector<16xi32>, vector<16xi32>, vector<16xi32>], vector<16xf32>,
    %gather3A_326 = tpu.vector_load_idx %arg5[%add3A_238, %broadcast_in_dim3A_239, %add3A_323] : memref<3x8x256xf32, #tpu.memory_space<vmem>>[vector<16xi32>, vector<16xi32>, vector<16xi32>], vector<16xf32>,
    %mul3A_327 = arith.mulf %gather3A_324, %gather3A_324 : vector<16xf32>
    %mul3A_328 = arith.mulf %gather3A_325, %gather3A_325 : vector<16xf32>
    %add3A_329 = arith.addf %mul3A_327, %mul3A_328 : vector<16xf32>
    %mul3A_330 = arith.mulf %gather3A_326, %gather3A_326 : vector<16xf32>
    %add3A_331 = arith.addf %add3A_329, %mul3A_330 : vector<16xf32>
    %swap3A_332 = arith.constant 80 : index
    %swap3A_333 = tpu.vector_load %arg12[%swap3A_332] {strides = array<i32>} : memref<128xf32, #tpu.memory_space<vmem>>, vector<16xf32>,
    tpu.vector_store %arg12[%swap3A_332], %add3A_331 {strides = array<i32>} : memref<128xf32, #tpu.memory_space<vmem>>, vector<16xf32>,
    %add3A_334 = arith.constant 96 : i32
    %add3A_335 = vector.broadcast %add3A_334 : i32 to vector<16xi32>
    %add3A_336 = arith.addi %iota3A, %add3A_335 : vector<16xi32>
    %add3A_337 = vector.broadcast %mul3A_63 : i32 to vector<16xi32>
    %add3A_338 = arith.addi %add3A_336, %add3A_337 : vector<16xi32>
    %gather3A_339 = tpu.vector_load_idx %arg5[%broadcast_in_dim3A_232, %broadcast_in_dim3A_239, %add3A_338] : memref<3x8x256xf32, #tpu.memory_space<vmem>>[vector<16xi32>, vector<16xi32>, vector<16xi32>], vector<16xf32>,
    %gather3A_340 = tpu.vector_load_idx %arg5[%add3A_235, %broadcast_in_dim3A_239, %add3A_338] : memref<3x8x256xf32, #tpu.memory_space<vmem>>[vector<16xi32>, vector<16xi32>, vector<16xi32>], vector<16xf32>,
    %gather3A_341 = tpu.vector_load_idx %arg5[%add3A_238, %broadcast_in_dim3A_239, %add3A_338] : memref<3x8x256xf32, #tpu.memory_space<vmem>>[vector<16xi32>, vector<16xi32>, vector<16xi32>], vector<16xf32>,
    %mul3A_342 = arith.mulf %gather3A_339, %gather3A_339 : vector<16xf32>
    %mul3A_343 = arith.mulf %gather3A_340, %gather3A_340 : vector<16xf32>
    %add3A_344 = arith.addf %mul3A_342, %mul3A_343 : vector<16xf32>
    %mul3A_345 = arith.mulf %gather3A_341, %gather3A_341 : vector<16xf32>
    %add3A_346 = arith.addf %add3A_344, %mul3A_345 : vector<16xf32>
    %swap3A_347 = arith.constant 96 : index
    %swap3A_348 = tpu.vector_load %arg12[%swap3A_347] {strides = array<i32>} : memref<128xf32, #tpu.memory_space<vmem>>, vector<16xf32>,
    tpu.vector_store %arg12[%swap3A_347], %add3A_346 {strides = array<i32>} : memref<128xf32, #tpu.memory_space<vmem>>, vector<16xf32>,
    %add3A_349 = arith.constant 112 : i32
    %add3A_350 = vector.broadcast %add3A_349 : i32 to vector<16xi32>
    %add3A_351 = arith.addi %iota3A, %add3A_350 : vector<16xi32>
    %add3A_352 = vector.broadcast %mul3A_63 : i32 to vector<16xi32>
    %add3A_353 = arith.addi %add3A_351, %add3A_352 : vector<16xi32>
    %gather3A_354 = tpu.vector_load_idx %arg5[%broadcast_in_dim3A_232, %broadcast_in_dim3A_239, %add3A_353] : memref<3x8x256xf32, #tpu.memory_space<vmem>>[vector<16xi32>, vector<16xi32>, vector<16xi32>], vector<16xf32>,
    %gather3A_355 = tpu.vector_load_idx %arg5[%add3A_235, %broadcast_in_dim3A_239, %add3A_353] : memref<3x8x256xf32, #tpu.memory_space<vmem>>[vector<16xi32>, vector<16xi32>, vector<16xi32>], vector<16xf32>,
    %gather3A_356 = tpu.vector_load_idx %arg5[%add3A_238, %broadcast_in_dim3A_239, %add3A_353] : memref<3x8x256xf32, #tpu.memory_space<vmem>>[vector<16xi32>, vector<16xi32>, vector<16xi32>], vector<16xf32>,
    %mul3A_357 = arith.mulf %gather3A_354, %gather3A_354 : vector<16xf32>
    %mul3A_358 = arith.mulf %gather3A_355, %gather3A_355 : vector<16xf32>
    %add3A_359 = arith.addf %mul3A_357, %mul3A_358 : vector<16xf32>
    %mul3A_360 = arith.mulf %gather3A_356, %gather3A_356 : vector<16xf32>
    %add3A_361 = arith.addf %add3A_359, %mul3A_360 : vector<16xf32>
    %swap3A_362 = arith.constant 112 : index
    %swap3A_363 = tpu.vector_load %arg12[%swap3A_362] {strides = array<i32>} : memref<128xf32, #tpu.memory_space<vmem>>, vector<16xf32>,
    tpu.vector_store %arg12[%swap3A_362], %add3A_361 {strides = array<i32>} : memref<128xf32, #tpu.memory_space<vmem>>, vector<16xf32>,
    %broadcast_in_dim3A_364 = arith.constant 0x7F800000 : f32
    %broadcast_in_dim3A_365 = vector.broadcast %broadcast_in_dim3A_364 : f32 to vector<16xf32>
    %scan3A_366 = arith.constant 0 : i32
    %scan3A_367 = arith.constant 128 : i32
    %scan3A_368 = arith.addi %scan3A_366, %scan3A_367 : i32
    %scan3A_369 = arith.constant 1 : i32
    %scan3A_370:8 = scf.for %scan3A_411 = %scan3A_366 to %scan3A_368 step %scan3A_369 iter_args(%scan3A_412 = %broadcast_in_dim3A_365, %scan3A_413 = %broadcast_in_dim3A_365, %scan3A_414 = %broadcast_in_dim3A_365, %scan3A_415 = %broadcast_in_dim3A_365, %scan3A_416 = %broadcast_in_dim3A_365, %scan3A_417 = %broadcast_in_dim3A_365, %scan3A_418 = %broadcast_in_dim3A_365, %scan3A_419 = %broadcast_in_dim3A_365) -> (vector<16xf32>, vector<16xf32>, vector<16xf32>, vector<16xf32>, vector<16xf32>, vector<16xf32>, vector<16xf32>, vector<16xf32>)  : i32 {
      %broadcast_in_dim3A_420 = vector.broadcast %scan3A_411 : i32 to vector<16xi32>
      %gather3A_421 = tpu.vector_load_idx %arg8[%broadcast_in_dim3A_420] : memref<128xf32, #tpu.memory_space<vmem>>[vector<16xi32>], vector<16xf32>,
      %gather3A_422 = tpu.vector_load_idx %arg9[%broadcast_in_dim3A_420] : memref<128xf32, #tpu.memory_space<vmem>>[vector<16xi32>], vector<16xf32>,
      %gather3A_423 = tpu.vector_load_idx %arg10[%broadcast_in_dim3A_420] : memref<128xf32, #tpu.memory_space<vmem>>[vector<16xi32>], vector<16xf32>,
      %gather3A_424 = tpu.vector_load_idx %arg11[%broadcast_in_dim3A_420] : memref<128xf32, #tpu.memory_space<vmem>>[vector<16xi32>], vector<16xf32>,
      %mul3A_425 = arith.mulf %gather3A_422, %gather3A : vector<16xf32>
      %add3A_426 = arith.addf %gather3A_421, %mul3A_425 : vector<16xf32>
      %mul3A_427 = arith.mulf %gather3A_423, %gather3A_251 : vector<16xf32>
      %add3A_428 = arith.addf %add3A_426, %mul3A_427 : vector<16xf32>
      %mul3A_429 = arith.mulf %gather3A_424, %gather3A_252 : vector<16xf32>
      %add3A_430 = arith.addf %add3A_428, %mul3A_429 : vector<16xf32>
      %min3A = arith.minimumf %scan3A_412, %add3A_430 : vector<16xf32>
      %mul3A_431 = arith.mulf %gather3A_422, %gather3A_264 : vector<16xf32>
      %add3A_432 = arith.addf %gather3A_421, %mul3A_431 : vector<16xf32>
      %mul3A_433 = arith.mulf %gather3A_423, %gather3A_265 : vector<16xf32>
      %add3A_434 = arith.addf %add3A_432, %mul3A_433 : vector<16xf32>
      %mul3A_435 = arith.mulf %gather3A_424, %gather3A_266 : vector<16xf32>
      %add3A_436 = arith.addf %add3A_434, %mul3A_435 : vector<16xf32>
      %min3A_437 = arith.minimumf %scan3A_413, %add3A_436 : vector<16xf32>
      %mul3A_438 = arith.mulf %gather3A_422, %gather3A_279 : vector<16xf32>
      %add3A_439 = arith.addf %gather3A_421, %mul3A_438 : vector<16xf32>
      %mul3A_440 = arith.mulf %gather3A_423, %gather3A_280 : vector<16xf32>
      %add3A_441 = arith.addf %add3A_439, %mul3A_440 : vector<16xf32>
      %mul3A_442 = arith.mulf %gather3A_424, %gather3A_281 : vector<16xf32>
      %add3A_443 = arith.addf %add3A_441, %mul3A_442 : vector<16xf32>
      %min3A_444 = arith.minimumf %scan3A_414, %add3A_443 : vector<16xf32>
      %mul3A_445 = arith.mulf %gather3A_422, %gather3A_294 : vector<16xf32>
      %add3A_446 = arith.addf %gather3A_421, %mul3A_445 : vector<16xf32>
      %mul3A_447 = arith.mulf %gather3A_423, %gather3A_295 : vector<16xf32>
      %add3A_448 = arith.addf %add3A_446, %mul3A_447 : vector<16xf32>
      %mul3A_449 = arith.mulf %gather3A_424, %gather3A_296 : vector<16xf32>
      %add3A_450 = arith.addf %add3A_448, %mul3A_449 : vector<16xf32>
      %min3A_451 = arith.minimumf %scan3A_415, %add3A_450 : vector<16xf32>
      %mul3A_452 = arith.mulf %gather3A_422, %gather3A_309 : vector<16xf32>
      %add3A_453 = arith.addf %gather3A_421, %mul3A_452 : vector<16xf32>
      %mul3A_454 = arith.mulf %gather3A_423, %gather3A_310 : vector<16xf32>
      %add3A_455 = arith.addf %add3A_453, %mul3A_454 : vector<16xf32>
      %mul3A_456 = arith.mulf %gather3A_424, %gather3A_311 : vector<16xf32>
      %add3A_457 = arith.addf %add3A_455, %mul3A_456 : vector<16xf32>
      %min3A_458 = arith.minimumf %scan3A_416, %add3A_457 : vector<16xf32>
      %mul3A_459 = arith.mulf %gather3A_422, %gather3A_324 : vector<16xf32>
      %add3A_460 = arith.addf %gather3A_421, %mul3A_459 : vector<16xf32>
      %mul3A_461 = arith.mulf %gather3A_423, %gather3A_325 : vector<16xf32>
      %add3A_462 = arith.addf %add3A_460, %mul3A_461 : vector<16xf32>
      %mul3A_463 = arith.mulf %gather3A_424, %gather3A_326 : vector<16xf32>
      %add3A_464 = arith.addf %add3A_462, %mul3A_463 : vector<16xf32>
      %min3A_465 = arith.minimumf %scan3A_417, %add3A_464 : vector<16xf32>
      %mul3A_466 = arith.mulf %gather3A_422, %gather3A_339 : vector<16xf32>
      %add3A_467 = arith.addf %gather3A_421, %mul3A_466 : vector<16xf32>
      %mul3A_468 = arith.mulf %gather3A_423, %gather3A_340 : vector<16xf32>
      %add3A_469 = arith.addf %add3A_467, %mul3A_468 : vector<16xf32>
      %mul3A_470 = arith.mulf %gather3A_424, %gather3A_341 : vector<16xf32>
      %add3A_471 = arith.addf %add3A_469, %mul3A_470 : vector<16xf32>
      %min3A_472 = arith.minimumf %scan3A_418, %add3A_471 : vector<16xf32>
      %mul3A_473 = arith.mulf %gather3A_422, %gather3A_354 : vector<16xf32>
      %add3A_474 = arith.addf %gather3A_421, %mul3A_473 : vector<16xf32>
      %mul3A_475 = arith.mulf %gather3A_423, %gather3A_355 : vector<16xf32>
      %add3A_476 = arith.addf %add3A_474, %mul3A_475 : vector<16xf32>
      %mul3A_477 = arith.mulf %gather3A_424, %gather3A_356 : vector<16xf32>
      %add3A_478 = arith.addf %add3A_476, %mul3A_477 : vector<16xf32>
      %min3A_479 = arith.minimumf %scan3A_419, %add3A_478 : vector<16xf32>
      scf.yield %min3A, %min3A_437, %min3A_444, %min3A_451, %min3A_458, %min3A_465, %min3A_472, %min3A_479 : vector<16xf32>, vector<16xf32>, vector<16xf32>, vector<16xf32>, vector<16xf32>, vector<16xf32>, vector<16xf32>, vector<16xf32>
    }
    %scan3A_371 = arith.constant 128 : i32
    %get3A = arith.constant 0 : index
    %get3A_372 = tpu.vector_load %arg12[%get3A] {strides = array<i32>} : memref<128xf32, #tpu.memory_space<vmem>>, vector<16xf32>,
    %add3A_373 = arith.addf %scan3A_370#0, %get3A_372 : vector<16xf32>
    %swap3A_374 = arith.constant 0 : index
    %swap3A_375 = tpu.vector_load %arg7[%swap3A_374] {strides = array<i32>} : memref<128xf32, #tpu.memory_space<vmem>>, vector<16xf32>,
    tpu.vector_store %arg7[%swap3A_374], %add3A_373 {strides = array<i32>} : memref<128xf32, #tpu.memory_space<vmem>>, vector<16xf32>,
    %get3A_376 = arith.constant 16 : index
    %get3A_377 = tpu.vector_load %arg12[%get3A_376] {strides = array<i32>} : memref<128xf32, #tpu.memory_space<vmem>>, vector<16xf32>,
    %add3A_378 = arith.addf %scan3A_370#1, %get3A_377 : vector<16xf32>
    %swap3A_379 = arith.constant 16 : index
    %swap3A_380 = tpu.vector_load %arg7[%swap3A_379] {strides = array<i32>} : memref<128xf32, #tpu.memory_space<vmem>>, vector<16xf32>,
    tpu.vector_store %arg7[%swap3A_379], %add3A_378 {strides = array<i32>} : memref<128xf32, #tpu.memory_space<vmem>>, vector<16xf32>,
    %get3A_381 = arith.constant 32 : index
    %get3A_382 = tpu.vector_load %arg12[%get3A_381] {strides = array<i32>} : memref<128xf32, #tpu.memory_space<vmem>>, vector<16xf32>,
    %add3A_383 = arith.addf %scan3A_370#2, %get3A_382 : vector<16xf32>
    %swap3A_384 = arith.constant 32 : index
    %swap3A_385 = tpu.vector_load %arg7[%swap3A_384] {strides = array<i32>} : memref<128xf32, #tpu.memory_space<vmem>>, vector<16xf32>,
    tpu.vector_store %arg7[%swap3A_384], %add3A_383 {strides = array<i32>} : memref<128xf32, #tpu.memory_space<vmem>>, vector<16xf32>,
    %get3A_386 = arith.constant 48 : index
    %get3A_387 = tpu.vector_load %arg12[%get3A_386] {strides = array<i32>} : memref<128xf32, #tpu.memory_space<vmem>>, vector<16xf32>,
    %add3A_388 = arith.addf %scan3A_370#3, %get3A_387 : vector<16xf32>
    %swap3A_389 = arith.constant 48 : index
    %swap3A_390 = tpu.vector_load %arg7[%swap3A_389] {strides = array<i32>} : memref<128xf32, #tpu.memory_space<vmem>>, vector<16xf32>,
    tpu.vector_store %arg7[%swap3A_389], %add3A_388 {strides = array<i32>} : memref<128xf32, #tpu.memory_space<vmem>>, vector<16xf32>,
    %get3A_391 = arith.constant 64 : index
    %get3A_392 = tpu.vector_load %arg12[%get3A_391] {strides = array<i32>} : memref<128xf32, #tpu.memory_space<vmem>>, vector<16xf32>,
    %add3A_393 = arith.addf %scan3A_370#4, %get3A_392 : vector<16xf32>
    %swap3A_394 = arith.constant 64 : index
    %swap3A_395 = tpu.vector_load %arg7[%swap3A_394] {strides = array<i32>} : memref<128xf32, #tpu.memory_space<vmem>>, vector<16xf32>,
    tpu.vector_store %arg7[%swap3A_394], %add3A_393 {strides = array<i32>} : memref<128xf32, #tpu.memory_space<vmem>>, vector<16xf32>,
    %get3A_396 = arith.constant 80 : index
    %get3A_397 = tpu.vector_load %arg12[%get3A_396] {strides = array<i32>} : memref<128xf32, #tpu.memory_space<vmem>>, vector<16xf32>,
    %add3A_398 = arith.addf %scan3A_370#5, %get3A_397 : vector<16xf32>
    %swap3A_399 = arith.constant 80 : index
    %swap3A_400 = tpu.vector_load %arg7[%swap3A_399] {strides = array<i32>} : memref<128xf32, #tpu.memory_space<vmem>>, vector<16xf32>,
    tpu.vector_store %arg7[%swap3A_399], %add3A_398 {strides = array<i32>} : memref<128xf32, #tpu.memory_space<vmem>>, vector<16xf32>,
    %get3A_401 = arith.constant 96 : index
    %get3A_402 = tpu.vector_load %arg12[%get3A_401] {strides = array<i32>} : memref<128xf32, #tpu.memory_space<vmem>>, vector<16xf32>,
    %add3A_403 = arith.addf %scan3A_370#6, %get3A_402 : vector<16xf32>
    %swap3A_404 = arith.constant 96 : index
    %swap3A_405 = tpu.vector_load %arg7[%swap3A_404] {strides = array<i32>} : memref<128xf32, #tpu.memory_space<vmem>>, vector<16xf32>,
    tpu.vector_store %arg7[%swap3A_404], %add3A_403 {strides = array<i32>} : memref<128xf32, #tpu.memory_space<vmem>>, vector<16xf32>,
    %get3A_406 = arith.constant 112 : index
    %get3A_407 = tpu.vector_load %arg12[%get3A_406] {strides = array<i32>} : memref<128xf32, #tpu.memory_space<vmem>>, vector<16xf32>,
    %add3A_408 = arith.addf %scan3A_370#7, %get3A_407 : vector<16xf32>
    %swap3A_409 = arith.constant 112 : index
    %swap3A_410 = tpu.vector_load %arg7[%swap3A_409] {strides = array<i32>} : memref<128xf32, #tpu.memory_space<vmem>>, vector<16xf32>,
    tpu.vector_store %arg7[%swap3A_409], %add3A_408 {strides = array<i32>} : memref<128xf32, #tpu.memory_space<vmem>>, vector<16xf32>,
    "tpu.region"() ({
      %run_scoped3A = tpu.sem_alloc : memref<!tpu.dma_semaphore, #tpu.memory_space<semaphore_mem>>
      %dma_start3A_411 = arith.constant 0 : i32
      %dma_start3A_412 = tpu.memref_slice %arg4[%add3A, %dma_start3A_411] : memref<32x128xf32, #tpu.memory_space<hbm>> -> memref<1x128xf32, #tpu.memory_space<hbm>>
      %dma_start3A_413 = tpu.memref_squeeze %dma_start3A_412 : memref<1x128xf32, #tpu.memory_space<hbm>> -> memref<128xf32, #tpu.memory_space<hbm>>
      %dma_start3A_414 = arith.constant 0 : i32
      %dma_start3A_415 = tpu.memref_slice %arg4[%add3A, %dma_start3A_414] : memref<32x128xf32, #tpu.memory_space<hbm>> -> memref<1x128xf32, #tpu.memory_space<hbm>>
      %dma_start3A_416 = tpu.memref_squeeze %dma_start3A_415 : memref<1x128xf32, #tpu.memory_space<hbm>> -> memref<128xf32, #tpu.memory_space<hbm>>
      tpu.enqueue_dma source(%arg7 : memref<128xf32, #tpu.memory_space<vmem>>) target(%dma_start3A_416 : memref<128xf32, #tpu.memory_space<hbm>>) target_semaphore(%run_scoped3A : memref<!tpu.dma_semaphore, #tpu.memory_space<semaphore_mem>>)
      %dma_wait3A_417 = arith.constant 0 : i32
      %dma_wait3A_418 = tpu.memref_slice %arg4[%add3A, %dma_wait3A_417] : memref<32x128xf32, #tpu.memory_space<hbm>> -> memref<1x128xf32, #tpu.memory_space<hbm>>
      %dma_wait3A_419 = tpu.memref_squeeze %dma_wait3A_418 : memref<1x128xf32, #tpu.memory_space<hbm>> -> memref<128xf32, #tpu.memory_space<hbm>>
      %dma_wait3A_420 = arith.constant 0 : i32
      %dma_wait3A_421 = tpu.memref_slice %arg4[%add3A, %dma_wait3A_420] : memref<32x128xf32, #tpu.memory_space<hbm>> -> memref<1x128xf32, #tpu.memory_space<hbm>>
      %dma_wait3A_422 = tpu.memref_squeeze %dma_wait3A_421 : memref<1x128xf32, #tpu.memory_space<hbm>> -> memref<128xf32, #tpu.memory_space<hbm>>
      tpu.wait_dma2 semaphore(%run_scoped3A : memref<!tpu.dma_semaphore, #tpu.memory_space<semaphore_mem>>) src(%arg7 : memref<128xf32, #tpu.memory_space<vmem>>) dst(%dma_wait3A_422 : memref<128xf32, #tpu.memory_space<hbm>>)
      tpu.yield
    }) : () -> ()
    return
  }
}

module attributes {stable_mosaic.version = 14 : i64} {
  func.func @body(%arg0: memref<32x128xf32, #tpu.memory_space<vmem>>, %arg1: memref<1x1xf32, #tpu.memory_space<smem>>) attributes {dimension_semantics = [], scalar_prefetch = 0 : i64, scratch_operands = 0 : i64, tpu.core_type = #tpu.core_type<tc>} {
    %get3A = arith.constant 0 : index
    %get3A_0 = arith.constant 0 : index
    %get3A_1 = vector.load %arg0[%get3A, %get3A_0] : memref<32x128xf32, #tpu.memory_space<vmem>>, vector<32x128xf32>
    %max3A = arith.constant 0.000000e+00 : f32
    %max3A_2 = vector.broadcast %max3A : f32 to vector<32x128xf32>
    %max3A_3 = arith.maximumf %get3A_1, %max3A_2 : vector<32x128xf32>
    %sqrt3A = math.sqrt %max3A_3 : vector<32x128xf32>
    %reduce_sum3A = vector.shape_cast %sqrt3A : vector<32x128xf32> to vector<1x32x128xf32>
    %reduce_sum3A_4 = arith.constant dense<0.000000e+00> : vector<1xf32>
    %reduce_sum3A_5 = vector.multi_reduction <add>, %reduce_sum3A, %reduce_sum3A_4 [1, 2] : vector<1x32x128xf32> to vector<1xf32>
    %reduce_sum3A_6 = vector.shape_cast %reduce_sum3A_5 : vector<1xf32> to vector<1x1x1xf32>
    %reduce_sum3A_7 = vector.extract %reduce_sum3A_6[0, 0, 0] : f32 from vector<1x1x1xf32>
    %mul3A = arith.constant 2.44140625E-4 : f32
    %mul3A_8 = arith.mulf %reduce_sum3A_7, %mul3A : f32
    %swap3A = arith.constant 0 : index
    %swap3A_9 = arith.constant 0 : index
    %swap3A_10 = memref.load %arg1[%swap3A, %swap3A_9] : memref<1x1xf32, #tpu.memory_space<smem>>
    memref.store %mul3A_8, %arg1[%swap3A, %swap3A_9] : memref<1x1xf32, #tpu.memory_space<smem>>
    return
  }
}

</mosaic_0001>

<sc_bundles>
// kernel: kernel.4.cloned.1.call-start
scs
__scs_entry_jumppad:
0x0: {  	(pc) =	sbr.rel $0x88, $3  }
0x1: {  	(tag) =	ssettag $0x0;
	lr =	simm.s32 $0x1  }
0x2: {  	[smem:$0x3F9F] =	sst lr;
	_ =	strace $0xD0000000  }
0x3: {  	_ = 	snop  }
0x4: {  	_ = 	snop  }
0x5: {  	_ = 	snop  }
0x6: {  	_ = 	snop  }
0x7: {  	_ = 	snop  }
__scs_overlays_trampoline_lowered:
0x8: {  	[smem:$0x3FAE] =	sst s0  }
0x9: {  	[smem:$0x3FAF] =	sst s1  }
0xa: {  	[smem:$0x3FB0] =	sst s2  }
0xb: {  	[smem:$0x3FB1] =	sst s3  }
0xc: {  	[smem:$0x3FB2] =	sst s4  }
0xd: {  	[smem:$0x3FB3] =	sst s5  }
0xe: {  	[smem:$0x3FB4] =	sst s6  }
0xf: {  	[smem:$0x3FB5] =	sst s7  }
0x10: {  	[smem:$0x3FB6] =	sst s8  }
0x11: {  	[smem:$0x3FB7] =	sst s9;
	s0 =	simm.s32 @!p0 $0x0  }
0x12: {  	s1 =	sld [smem:$0x3F9D];
	s0 =	simm.s32 @p0 $0x1  }
0x13: {  	[smem:$0x3FB8] =	sst s0;
	s0 =	simm.s32 @!p1 $0x0  }
0x14: {  	s2 =	sld [smem:$0x3F9C];
	s0 =	simm.s32 @p1 $0x1  }
0x15: {  	[smem:$0x3FB9] =	sst s0;
	s0 =	simm.s32 @!p2 $0x0  }
0x16: {  	s3 =	sld [smem:$0x3FDB];
	s0 =	simm.s32 @p2 $0x1  }
0x17: {  	s4 =	simm.s32 $0x1BF5;
	[smem:$0x3FBB] =	sst s0  }
0x18: {  	s0 =	sld [smem:$0x3F9E];
	_ =	swait.ge [sflag:s4], $0x0  }
0x19: {  	s7 =	sld [smem:$0x3F9F]  }
0x1a: {  	s8 =	sadd.s32 $0xFFFFE003, lr  }
0x1b: {  	s9 =	sadd.s32 $0xFFFFFEF7, lr;
	s5 =	simm.s32 $0xFFFFFFFF;
	p2 =	slt.u32 s8, $0xFFFFF086  }
0x1c: {  	p1 =	slt.u32 s9, $0xF7A;
	s5 =	simm.s32 @!p2 $0x0  }
0x1d: {  	s5 =	simm.s32 @p1 $0x1;
	p0 =	seq.s32 s7, s2  }
0x1e: {  	s7 =	smul.u32 @!p0 $0xF7A, s2;
	p2 =	seq.s32 @!p0 s5, $0x0  }
0x1f: {  	s9 =	smul.u32 $0xF7A, s1;
	s8 =	simm.s32 @!p0 $0x1BF5;
	p2 =	por !p2, p0  }
0x20: {  	[sflag:s8] =	ssyncset.s32 @!p0 $0xFFFFF086;
	s6 =	sadd.s32 @!p0 s3, s7;
	s7 =	simm.s32 @!p0 $0x108  }
0x21: {  	s3 =	sadd.s32 s3, s9;
	s6 =	sadd.s32 @!p0 $0x88, s6;
	s7 =	simm.s32 @p2 $0x1082  }
0x22: {  	[simem:s7], [sflag:s8] =	dma.local @!p0 [hbm:s6], $0xF7A  }
0x23: {  	s9 =	sor.u32 $0xD0000000, s2;
	s6 =	simm.s32 $0x108;
	_ =	swait.ge @!p0 [sflag:s8], $0x0  }
0x24: {  	s3 =	sadd.s32 $0x88, s3;
	s6 =	simm.s32 @!p1 $0x1082;
	[sflag:s4] =	ssyncset.s32 $0xFFFFF086  }
0x25: {  	[simem:s6], [sflag:s4] =	dma.local [hbm:s3], $0xF7A  }
0x26: {  	[smem:$0x3F9F] =	sst s1;
	(tag) =	ssettag s2;
	_ =	strace s9  }
0x27: {  	s1 =	sld [smem:$0x3FAF]  }
0x28: {  	s2 =	sld [smem:$0x3FB0]  }
0x29: {  	s4 =	sld [smem:$0x3FB2]  }
0x2a: {  	p0 =	seq.s32 s5, $0x0;
	s5 =	sld [smem:$0x3FB3]  }
0x2b: {  	s6 =	sld [smem:$0x3FB4]  }
0x2c: {  	s7 =	sld [smem:$0x3FB5]  }
0x2d: {  	s3 =	simm.s32 $0x108;
	s8 =	sld [smem:$0x3FB6]  }
0x2e: {  	s3 =	simm.s32 @!p0 $0x1082;
	s9 =	sld [smem:$0x3FB7]  }
0x2f: {  	lr =	sadd.s32 s0, s3;
	s0 =	sld [smem:$0x3FAE]  }
0x30: {  	s3 =	sld [smem:$0x3FB1]  }
0x31: {  	[smem:$0x3FBA] =	sst s10  }
0x32: {  	s10 =	sld [smem:$0x3FB8];
	_ =	sdelay $0x3  }
0x33: {  	p0 =	seq.s32 s10, $0x1;
	s10 =	sld [smem:$0x3FBA];
	_ =	sdelay $0x3  }
0x34: {  	[smem:$0x3FBA] =	sst s10  }
0x35: {  	s10 =	sld [smem:$0x3FB9];
	_ =	sdelay $0x3  }
0x36: {  	p1 =	seq.s32 s10, $0x1;
	s10 =	sld [smem:$0x3FBA];
	_ =	sdelay $0x3  }
0x37: {  	[smem:$0x3FBA] =	sst s10  }
0x38: {  	s10 =	sld [smem:$0x3FBB]  }
0x39: {  	_ = 	snop;
	(pc) =	sbr.ind lr, $3  }
0x3a: {  	_ = 	snop  }
0x3b: {  	_ = 	snop  }
0x3c: {  	p2 =	seq.s32 s10, $0x1;
	s10 =	sld [smem:$0x3FBA]  }
0x3d: {  	_ =	shalt  }
0x3e: {  	_ =	shalt  }
0x3f: {  	_ =	shalt  }
0x40: {  	_ =	shalt  }
0x41: {  	_ =	shalt  }
0x42: {  	_ =	shalt  }
0x43: {  	_ =	shalt  }
0x44: {  	_ =	shalt  }
0x45: {  	_ =	shalt  }
0x46: {  	_ =	shalt  }
0x47: {  	_ =	shalt  }
0x48: {  	_ =	shalt  }
0x49: {  	_ =	shalt  }
0x4a: {  	_ =	shalt  }
0x4b: {  	_ =	shalt  }
0x4c: {  	_ =	shalt  }
0x4d: {  	_ =	shalt  }
0x4e: {  	_ =	shalt  }
0x4f: {  	_ =	shalt  }
0x50: {  	_ =	shalt  }
0x51: {  	_ =	shalt  }
0x52: {  	_ =	shalt  }
0x53: {  	_ =	shalt  }
0x54: {  	_ =	shalt  }
0x55: {  	_ =	shalt  }
0x56: {  	_ =	shalt  }
0x57: {  	_ =	shalt  }
0x58: {  	_ =	shalt  }
0x59: {  	_ =	shalt  }
0x5a: {  	_ =	shalt  }
0x5b: {  	_ =	shalt  }
0x5c: {  	_ =	shalt  }
0x5d: {  	_ =	shalt  }
0x5e: {  	_ =	shalt  }
0x5f: {  	_ =	shalt  }
0x60: {  	_ =	shalt  }
0x61: {  	_ =	shalt  }
0x62: {  	_ =	shalt  }
0x63: {  	_ =	shalt  }
0x64: {  	_ =	shalt  }
0x65: {  	_ =	shalt  }
0x66: {  	_ =	shalt  }
0x67: {  	_ =	shalt  }
0x68: {  	_ =	shalt  }
0x69: {  	_ =	shalt  }
0x6a: {  	_ =	shalt  }
0x6b: {  	_ =	shalt  }
0x6c: {  	_ =	shalt  }
0x6d: {  	_ =	shalt  }
0x6e: {  	_ =	shalt  }
0x6f: {  	_ =	shalt  }
0x70: {  	_ =	shalt  }
0x71: {  	_ =	shalt  }
0x72: {  	_ =	shalt  }
0x73: {  	_ =	shalt  }
0x74: {  	_ =	shalt  }
0x75: {  	_ =	shalt  }
0x76: {  	_ =	shalt  }
0x77: {  	_ =	shalt  }
0x78: {  	_ =	shalt  }
0x79: {  	_ =	shalt  }
0x7a: {  	_ =	shalt  }
0x7b: {  	_ =	shalt  }
0x7c: {  	_ =	shalt  }
0x7d: {  	_ =	shalt  }
0x7e: {  	_ =	shalt  }
0x7f: {  	_ =	shalt  }
0x80: {  	_ =	shalt  }
0x81: {  	_ =	shalt  }
0x82: {  	_ =	shalt  }
0x83: {  	_ =	shalt  }
0x84: {  	_ =	shalt  }
0x85: {  	_ =	shalt  }
0x86: {  	_ =	shalt  }
0x87: {  	_ =	shalt  }
.Lfunc_end0:
.L_simem_size_0:
called_computation_lowered:
.L_overlay_start_0:
0x88: {  	s2 =	sld [smem:$0x3FD9]  }
0x89: {  	s3 =	sld [smem:$0x3FFE];
	_ =	sdelay $0x1  }
0x8a: {  	s1 =	srdreg.scid  }
0x8b: {  	s0 =	sand.u32 $0x1, s1  }
0x8c: {  	s17 =	sshll.u32 s0, $0xA;
	s2 =	sadd.s32 s3, s2  }
0x8d: {  	s2 =	sadd.s32 s2, s17  }
0x8e: {  	[smem:$0x3FC6] =	sst s2  }
0x8f: {  	_ = 	snop  }
0x90: {  	s2 =	sld [smem:$0x3FC9]  }
0x91: {  	s18 =	sld [smem:$0x3FC8];
	(tm) =	ssettm $0x1  }
0x92: {  	s4 =	sld [smem:$0x3FFB];
	_ =	sdelay $0x3  }
0x93: {  	_ =	strace s4  }
0x94: {  	s4 =	sld [smem:$0x3FFC];
	_ =	sdelay $0x3  }
0x95: {  	_ =	strace s4  }
0x96: {  	s4 =	sld [smem:$0x3FFD];
	_ =	sdelay $0x3  }
0x97: {  	_ =	strace s4  }
0x98: {  	_ =	strace $0x8FFFFFFF  }
0x99: {  	s19 =	sld [smem:$0x3FDB];
	_ =	sdelay $0x1  }
0x9a: {  	s5 =	simm.s32 $_scs_section_size  }
0x9b: {  	s6 =	simm.s32 $_size__tile_overlayer_lowered;
	s7 =	simm.s32 $_tile_overlayer_lowered  }
0x9c: {  	s22 =	simm.s32 $0x1BFF;
	s21 =	sshll.u32 s7, $0x1;
	s4 =	sadd.s32 s5, s19  }
0x9d: {  	s8 =	simm.s32 $0x0;
	s20 =	sshll.u32 s6, $0x1;
	s6 =	sadd.s32 s21, s4  }
0x9e: {  	[timem:s8], [sflag:s22] =	dma.local [hbm:s6], s20  }
0x9f: {  	_ =	swait.ge [sflag:s22], s20  }
0xa0: {  	s5 =	ssub.s32 $0x0, s20;
	[sflag:s22] =	ssyncset.done $0x0  }
0xa1: {  	[sflag:s22] =	ssyncadd.s32 s5;
	_ =	sdelay $0x1  }
0xa2: {  	s23 =	simm.s32 $0x1B8B  }
0xa3: {  	_ =	swait.ge [sflag:s23], $0x1  }
0xa4: {  	[sflag:s23] =	ssyncset.done $0x0  }
0xa5: {  	s25 =	simm.s32 $0x1B8E;
	s24 =	sld [smem:$0x3FFE];
	[sflag:s23] =	ssyncadd.s32 $0xFFFFFFFF  }
0xa6: {  	s26 =	simm.s32 $execute0_lowered;
	[smem:$0x3FD2] =	sst s25  }
0xa7: {  	s6 =	sshll.u32 s26, $0x1;
	_ =	strace $0x80000046;
	[dreg:$0x1] =	wrdreg $0xFFFFFFFF  }
0xa8: {  	s28 =	simm.s32 $_size_execute0_lowered;
	s4 =	sadd.s32 s4, s6;
	[dreg:$0x0] =	wrdreg $0x0  }
0xa9: {  	s6 =	sshll.u32 s28, $0x1;
	[dreg:$0x2] =	wrdreg s4  }
0xaa: {  	[dreg:$0x3] =	wrdreg s6  }
0xab: {  	[dreg:$0x4] =	wrdreg $0xC0  }
0xac: {  	_ =	task [dreg:s8], $0x5FFFF  }
0xad: {  	[dreg:$0x1] =	wrdreg $0xFFFFFFFF  }
0xae: {  	[dreg:$0x0] =	wrdreg $0x60  }
0xaf: {  	[dreg:$0x2] =	wrdreg s2  }
0xb0: {  	[dreg:$0x3] =	wrdreg s18  }
0xb1: {  	[dreg:$0x4] =	wrdreg s24  }
0xb2: {  	[dreg:$0x5] =	wrdreg $0x9  }
0xb3: {  	_ =	task.clear_ibuf [dreg:s8], $0x6FFFF;
	_ =	strace $0x90000046  }
0xb4: {  	s29 =	simm.s32 $0x9;
	_ =	strace $0x80000048  }
0xb5: {  	_ =	swait.ge [sflag:s29], $0x1  }
0xb6: {  	[sflag:s29] =	ssyncadd.s32 $0xFFFFFFFF  }
0xb7: {  	_ =	strace $0x90000048  }
0xb8: {  	_ =	sfence  }
0xb9: {  	s30 =	sld [smem:$0x0];
	_ =	sdelay $0x2  }
0xba: {  	s31 =	sshll.u32 s1, $0xD;
	s1 =	sshrl.u32 s1, $0x2  }
0xbb: {  	s3 =	sand.u32 $0x4000, s31;
	s1 =	sadd.s32 s1, s30  }
0xbc: {  	s0 =	sor.u32 s3, s0;
	s1 =	sshll.u32 s1, $0x11  }
0xbd: {  	s0 =	sor.u32 s1, s0  }
0xbe: {  	s0 =	sadd.s32 $0x8F2B, s0  }
0xbf: {  	[sflag:s0] =	ssyncadd.remote.s32 $0x1  }
0xc0: {  	_ =	sfence.sel $0xFFFF  }
0xc1: {  	[dreg:$0x0] =	wrdreg $0xFFFFFFFF;
	(pc) =	sbr.abs _section_cstart, $3  }
0xc2: {  	[dreg:$0x1] =	wrdreg $0xFFFFFFFF  }
0xc3: {  	_ =	task.clear_ibuf [dreg:s8], $0x2FFFF;
	_ =	strace $0x9FFFFFFF  }
0xc4: {  	(tm) =	ssettm $0x7FFFFFFF  }
0xc5: {  	_ =	shalt  }
tec
execute0_lowered:
.L_overlay_start_1:
0x0: {  	(tag) =	ssettag $0x1  }
0x1: {  	s1 =	srdreg.scid;
	s0 =	stileid.u32  }
0x2: {  	s3 =	sand.u32 $0x1, s1;
	s24 =	sshll.u32 s0, $0x1  }
0x3: {  	s4 =	sor.u32 s3, s24  }
0x4: {  	p1 =	seq.s32 s3, $0x1;
	p0 =	seq.s32 s4, $0x0  }
0x5: {  	p0 =	por !p0, !p1  }
0x6: {  	s1 =	simm.s32 $0x1;
	p0 =	por !p0, !p0  }
0x7: {  	s1 =	simm.s32 @!p0 $0x0  }
0x8: {  	s1 =	ssub.s32 s0, s1  }
0x9: {  	s2 =	sand.u32 $0x7, s1  }
0xa: {  	s5 =	sand.u32 $0xE0, s1;
	p5 =	slt.s32 s1, $0x1;
	p6 =	sne.s32 s2, $0x0  }
0xb: {  	s25 =	sshrl.u32 s5, $0x5;
	p0 =	por !p5, !p6  }
0xc: {  	s5 =	simm.s32 $0x1;
	s2 =	sadd.s32 s25, s1;
	p0 =	por !p0, !p0  }
0xd: {  	s2 =	sshra.s32 s2, $0x3;
	s5 =	simm.s32 @!p0 $0x0  }
0xe: {  	s2 =	ssub.s32 s2, s5  }
0xf: {  	s5 =	sshll.u32 s2, $0x3  }
0x10: {  	s1 =	ssub.s32 s1, s5  }
0x11: {  	v0 =	vmov s1  }
0x12: {  	v1 =	vshll.u32 v0, $0x8;
	v0 =	vshll.u32 v0, $0x7  }
0x13: {  	v3 =	vlaneseq.u32;
	s12 =	sshll.u32 s3, $0x3;
	v5 =	vand.u32 $0xFFFFF800, v1;
	v6 =	vand.u32 $0x380, v0  }
0x14: {  	v10 =	vor.u32 $0x10, v3;
	v9 =	vadd.s32 s12, v3;
	v1 =	vor.u32 v6, v5  }
0x15: {  	s28 =	rddreg [dreg:$0x0];
	v10 =	vadd.s32 s12, v10;
	v7 =	vadd.s32 $0x800, v5;
	v11 =	vor.u32 v9, v1  }
0x16: {  	s7 =	rddreg [dreg:$0x1];
	v8 =	vadd.s32 $0x1000, v5;
	v2 =	vor.u32 v6, v7;
	v47 =	vor.u32 v10, v1;
	[tilespmem:$0x1FF10] =	vst v11  }
0x17: {  	s9 =	rddreg [dreg:$0x2];
	v4 =	vor.u32 v6, v8;
	v46 =	vor.u32 v9, v2;
	[tilespmem:$0x1FF40] =	vst v47  }
0x18: {  	s14 =	simm.s32 $0x2000;
	s15 =	simm.s32 $0x1000;
	s16 =	simm.s32 $0x2800;
	v48 =	vor.u32 $0x20, v3;
	v52 =	vor.u32 $0x30, v3;
	v9 =	vor.u32 v9, v4;
	[tilespmem:$0x1FF20] =	vst v46  }
0x19: {  	s17 =	simm.s32 $0x3080;
	s18 =	simm.s32 $0x3100;
	s19 =	simm.s32 $0x3180;
	v54 =	vor.u32 $0x40, v3;
	v58 =	vor.u32 $0x50, v3;
	v49 =	vor.u32 v10, v2;
	[tilespmem:$0x1FF30] =	vst v9  }
0x1a: {  	s20 =	simm.s32 $0x3200;
	s21 =	simm.s32 $0x3000;
	v60 =	vor.u32 $0x70, v3;
	s10 =	smul.u32 $0x9C00, s3;
	v10 =	vor.u32 v10, v4;
	[tilespmem:$0x1FF50] =	vst v49;
	v9 =	vadd.s32 s12, v48  }
0x1b: {  	s22 =	simm.s32 $0x2;
	v62 =	vor.u32 $0x60, v3;
	s26 =	sshll.u32 s3, $0x5;
	s11 =	smul.u32 $0x27000, s3;
	v61 =	vadd.s32 s12, v60;
	[tilespmem:$0x1FF60] =	vst v10;
	v50 =	vor.u32 v9, v1  }
0x1c: {  	s3 =	ssub.s32 $0x2, s3;
	v53 =	vadd.s32 s12, v52;
	v12 =	vshll.u32 v61, $0x3;
	s6 =	sand.u32 $0x1FFFFFFF, s2;
	s2 =	simm.s32 $0x0;
	v51 =	vor.u32 v9, v2;
	[tilespmem:$0x1FF70] =	vst v50  }
0x1d: {  	s4 =	sshll.u32 s4, $0x4;
	v12 =	vand.u32 $0x400, v12;
	s8 =	smul.u32 $0x14800, s6;
	[smem:$0x7FF] =	sst s2;
	v0 =	vmov s26;
	v9 =	vor.u32 v9, v4;
	[tilespmem:$0x1FF80] =	vst v51  }
0x1e: {  	s29 =	sshrl.u32 s3, $0x1;
	s6 =	smul.u32 $0x61C00, s6;
	v55 =	vor.u32 v53, v1;
	v11 =	vadd.s32 s12, v62;
	v10 =	vadd.s32 s12, v54;
	_ =	strace $0x80000047;
	[tilespmem:$0x1FF90] =	vst v9  }
0x1f: {  	s23 =	simm.s32 $0x0;
	s13 =	sadd.s32 s4, s9;
	s30 =	ssub.s32 s3, s29;
	v57 =	vor.u32 v10, v1;
	v59 =	vor.u32 v10, v2;
	v10 =	vor.u32 v10, v4;
	[tilespmem:$0x1FFA0] =	vst v55  }
0x20: {  	s3 =	simm.s32 $0x1;
	s8 =	sadd.s32 s10, s8;
	s6 =	sadd.s32 s11, s6;
	v56 =	vor.u32 v53, v2;
	v23 =	vor.u32 v11, v1;
	v9 =	vor.u32 v53, v4;
	[tilespmem:$0x1FFF0] =	vst v10  }
0x21: {  	s10 =	sadd.s32 $0x600, s13;
	s31 =	sshrl.u32 s8, $0x3;
	s6 =	sshrl.u32 s6, $0x3;
	v24 =	vor.u32 v11, v2;
	v10 =	vand.u32 $0x7F, v61;
	[tilespmem:$0x1FFC0] =	vst v9;
	v9 =	vadd.s32 s12, v58  }
0x22: {  	s11 =	smax.u32 s30, $0x1;
	s4 =	sadd.s32 s28, s31;
	s5 =	sadd.s32 s7, s6;
	v25 =	vor.u32 v11, v4;
	[tilespmem:$0x1FFB0] =	vst v56;
	v63 =	vor.u32 v10, v12;
	v20 =	vor.u32 v9, v1  }
0x23: {  	s13 =	simm.s32 $0x800;
	s6 =	sadd.s32 $0x5200, s4;
	s7 =	sadd.s32 $0x18700, s5;
	[tilespmem:$0x1FFD0] =	vst v57;
	v21 =	vor.u32 v9, v2;
	v22 =	vor.u32 v9, v4;
	v6 =	vor.u32 v6, v63  }
0x24: {  	s8 =	sadd.s32 $0xA400, s4;
	s9 =	sadd.s32 $0x30E00, s5;
	[tilespmem:$0x1FFE0] =	vst v59;
	s12 =	simm.s32 $0x1800;
	v26 =	vor.u32 v5, v6;
	v27 =	vor.u32 v7, v6;
	v28 =	vor.u32 v8, v6  }
.LBB2_1:
0x25: {  	[tilespmem:s2], [sflag:$0x1] =	stream.linear.gather [hbm4b:s4+s2], $0x800, $0x38;
	[tilespmem:$0x3300] =	vst v63  }
0x26: {  	_ = 	snop  }
0x27: {  	[tilespmem:s12], [sflag:$0x1] =	stream.linear.gather [hbm4b:s5+s2], $0x800, $0x38;
	[tilespmem:$0x3300] =	vst v63  }
0x28: {  	_ = 	snop  }
0x29: {  	[tilespmem:s13], [sflag:$0x1] =	stream.linear.gather [hbm4b:s6+s2], $0x800, $0x38;
	[tilespmem:$0x3300] =	vst v63  }
0x2a: {  	_ = 	snop  }
0x2b: {  	[tilespmem:s14], [sflag:$0x1] =	stream.linear.gather [hbm4b:s7+s2], $0x800, $0x38;
	[tilespmem:$0x3300] =	vst v63  }
0x2c: {  	_ = 	snop  }
0x2d: {  	[tilespmem:s15], [sflag:$0x1] =	stream.linear.gather [hbm4b:s8+s2], $0x800, $0x38;
	[tilespmem:$0x3300] =	vst v63  }
0x2e: {  	_ = 	snop  }
0x2f: {  	[tilespmem:s16], [sflag:$0x1] =	stream.linear.gather [hbm4b:s9+s2], $0x800, $0x38;
	[tilespmem:$0x3300] =	vst v63  }
0x30: {  	_ =	swait.ge [sflag:s3], $0x800  }
0x31: {  	[sflag:s3] =	ssyncset.done $0x0  }
0x32: {  	[sflag:s3] =	ssyncadd.s32 $0xFFFFF800  }
0x33: {  	_ =	swait.ge [sflag:s3], $0x800  }
0x34: {  	[sflag:s3] =	ssyncset.done $0x0  }
0x35: {  	[sflag:s3] =	ssyncadd.s32 $0xFFFFF800  }
0x36: {  	_ =	swait.ge [sflag:s3], $0x800  }
0x37: {  	[sflag:s3] =	ssyncset.done $0x0  }
0x38: {  	v5 =	vadd.s32 s2, v0;
	[sflag:s3] =	ssyncadd.s32 $0xFFFFF800  }
0x39: {  	v5 =	vadd.s32 v3, v5;
	_ =	swait.ge [sflag:s3], $0x800  }
0x3a: {  	v6 =	vshll.u32 v5, $0x3;
	[sflag:s3] =	ssyncset.done $0x0  }
0x3b: {  	v6 =	vand.u32 $0x7FFFFC00, v6;
	[sflag:s3] =	ssyncadd.s32 $0xFFFFF800  }
0x3c: {  	v5 =	vand.u32 $0x7F, v5;
	v7 =	vadd.s32 v1, v6;
	_ =	swait.ge [sflag:s3], $0x800  }
0x3d: {  	v8 =	vadd.s32 v2, v6;
	v7 =	vor.u32 v5, v7;
	[sflag:s3] =	ssyncset.done $0x0  }
0x3e: {  	v8 =	vor.u32 v5, v8;
	[sflag:s3] =	ssyncadd.s32 $0xFFFFF800  }
0x3f: {  	v6 =	vadd.s32 v4, v6;
	_ =	swait.ge [sflag:s3], $0x800  }
0x40: {  	v5 =	vor.u32 v5, v6;
	[sflag:s3] =	ssyncset.done $0x0  }
0x41: {  	[sflag:s3] =	ssyncadd.s32 $0xFFFFF800  }
0x42: {  	v6 =	vld.idx.msk [tilespmem:v7+s12+$0x0], $0xffff  }
0x43: {  	v7 =	vld.idx.msk [tilespmem:v8+s12+$0x0], $0xffff;
	_ =	sdelay $0x1  }
0x44: {  	v9 =	vld.idx.msk [tilespmem:v5+s12+$0x0], $0xffff;
	_ =	sdelay $0x2  }
0x45: {  	s24 =	simm.s32 $0x10;
	v5 =	vmul.f32 v6, v6;
	v8 =	vmul.f32 v7, v7  }
0x46: {  	v10 =	vadd.s32 s24, v0  }
0x47: {  	v10 =	vadd.s32 v3, v10;
	v11 =	vmul.f32 v9, v9;
	v8 =	vadd.f32 v8, v5  }
0x48: {  	v12 =	vshll.u32 v10, $0x3  }
0x49: {  	v5 =	vmul.f32 $-2.000000000e+00, v7;
	v7 =	vand.u32 $0x7FFFFC00, v12;
	v8 =	vadd.f32 v11, v8  }
0x4a: {  	s31 =	simm.s32 $0x20;
	v10 =	vand.u32 $0x7F, v10;
	v11 =	vmul.f32 $-2.000000000e+00, v6;
	v6 =	vadd.s32 v1, v7  }
0x4b: {  	s25 =	simm.s32 $0x3210;
	s29 =	simm.s32 $0x3180;
	s28 =	simm.s32 $0x3080;
	v12 =	vadd.s32 v2, v7;
	v13 =	vadd.s32 v4, v7;
	v6 =	vor.u32 v10, v6;
	[tilespmem:s17+$0x0] =	vst v8  }
0x4c: {  	s26 =	simm.s32 $0x3100;
	s30 =	simm.s32 $0x3200;
	s24 =	simm.s32 $0x3190;
	v9 =	vmul.f32 $-2.000000000e+00, v9;
	v7 =	vor.u32 v10, v12;
	v8 =	vor.u32 v10, v13;
	[tilespmem:s18+$0x0] =	vst v11  }
.LBB2_2:
0x4d: {  	s28 =	sadd.s32 $0x10, s28;
	s26 =	sadd.s32 $0x10, s26  }
0x4e: {  	[tilespmem:s29+$0x0] =	vst v5;
	s1 =	smov.u32 s31;
	s0 =	sadd.s32 $0x10, s31;
	s29 =	smov.u32 s24  }
0x4f: {  	p0 =	sne.s32 s31, $0x70;
	[tilespmem:s30+$0x0] =	vst v9;
	s30 =	smov.u32 s25  }
0x50: {  	v6 =	vld.idx.msk [tilespmem:v6+s12+$0x0], $0xffff  }
0x51: {  	v5 =	vld.idx.msk [tilespmem:v7+s12+$0x0], $0xffff  }
0x52: {  	v9 =	vld.idx.msk [tilespmem:v8+s12+$0x0], $0xffff;
	_ =	sdelay $0x3  }
0x53: {  	v7 =	vmul.f32 v6, v6  }
0x54: {  	v8 =	vadd.s32 s1, v0;
	v10 =	vmul.f32 v5, v5  }
0x55: {  	v8 =	vadd.s32 v3, v8;
	v11 =	vmul.f32 v9, v9  }
0x56: {  	v12 =	vshll.u32 v8, $0x3;
	v5 =	vmul.f32 $-2.000000000e+00, v5;
	v7 =	vadd.f32 v10, v7  }
.Ltmp0:
0x57: {  	v8 =	vand.u32 $0x7F, v8;
	v10 =	vand.u32 $0x7FFFFC00, v12;
	v12 =	vmul.f32 $-2.000000000e+00, v6;
	(pc) =	sbr.rel @p0 .LBB2_2-.Ltmp0, $4  }
0x58: {  	v6 =	vadd.s32 v1, v10;
	v13 =	vadd.s32 v2, v10;
	v11 =	vadd.f32 v11, v7  }
0x59: {  	v10 =	vadd.s32 v4, v10;
	v6 =	vor.u32 v8, v6;
	v7 =	vor.u32 v8, v13  }
0x5a: {  	v9 =	vmul.f32 $-2.000000000e+00, v9;
	v8 =	vor.u32 v8, v10;
	[tilespmem:s28+$0x0] =	vst v11  }
0x5b: {  	s24 =	sadd.s32 $0x10, s24;
	s25 =	sadd.s32 $0x10, s25;
	s31 =	smov.u32 s0;
	[tilespmem:s26+$0x0] =	vst v12  }
0x5c: {  	_ =	sdelay $0x1  }
0x5d: {  	[tilespmem:s29+$0x0] =	vst v5  }
0x5e: {  	[tilespmem:s30+$0x0] =	vst v9  }
0x5f: {  	v5 =	vld.idx.msk [tilespmem:v6+s12+$0x0], $0xffff  }
0x60: {  	v6 =	vld.idx.msk [tilespmem:v7+s12+$0x0], $0xffff;
	_ =	sdelay $0x1  }
0x61: {  	v7 =	vld.idx.msk [tilespmem:v8+s12+$0x0], $0xffff;
	_ =	sdelay $0x2  }
0x62: {  	v8 =	vmul.f32 v5, v5;
	v9 =	vmul.f32 v6, v6;
	_ =	sdelay $0x1  }
0x63: {  	v10 =	vmul.f32 v7, v7;
	v8 =	vadd.f32 v9, v8;
	_ =	sdelay $0x1  }
0x64: {  	v8 =	vadd.f32 v10, v8  }
0x65: {  	s0 =	sadd.s32 $0x10, s28;
	v5 =	vmul.f32 $-2.000000000e+00, v5  }
0x66: {  	s1 =	sadd.s32 $0x10, s26;
	[tilespmem:s0+$0x0] =	vst v8  }
0x67: {  	[tilespmem:s1+$0x0] =	vst v5;
	v5 =	vld [tilespmem:$0x1FF10];
	_ =	sdelay $0x3  }
0x68: {  	v6 =	vmul.f32 $-2.000000000e+00, v6  }
0x69: {  	v7 =	vmul.f32 $-2.000000000e+00, v7  }
0x6a: {  	[tilespmem:s24+$0x0] =	vst v6  }
0x6b: {  	s30 =	simm.s32 $0x0;
	[tilespmem:s25+$0x0] =	vst v7  }
0x6c: {  	v38 =	vld.idx.msk [tilespmem:v5+s30+$0x0], $0xffff  }
0x6d: {  	v5 =	vld [tilespmem:$0x1FF20];
	_ =	sdelay $0x7  }
0x6e: {  	v33 =	vld.idx.msk [tilespmem:v5+s30+$0x0], $0xffff  }
0x6f: {  	v5 =	vld [tilespmem:$0x1FF30];
	_ =	sdelay $0x7  }
0x70: {  	v30 =	vld.idx.msk [tilespmem:v5+s30+$0x0], $0xffff;
	_ =	sdelay $0x2  }
0x71: {  	v6 =	vmul.f32 v33, v33;
	v5 =	vmul.f32 v38, v38;
	_ =	sdelay $0x1  }
0x72: {  	v5 =	vadd.f32 v6, v5;
	v6 =	vmul.f32 v30, v30;
	_ =	sdelay $0x1  }
0x73: {  	v29 =	vadd.f32 v6, v5;
	v5 =	vld [tilespmem:$0x1FF40];
	_ =	sdelay $0x6  }
0x74: {  	[tilespmem:$0x3280] =	vst v29  }
0x75: {  	v41 =	vld.idx.msk [tilespmem:v5+s30+$0x0], $0xffff  }
0x76: {  	v5 =	vld [tilespmem:$0x1FF50];
	_ =	sdelay $0x7  }
0x77: {  	v35 =	vld.idx.msk [tilespmem:v5+s30+$0x0], $0xffff  }
0x78: {  	v5 =	vld [tilespmem:$0x1FF60];
	_ =	sdelay $0x7  }
0x79: {  	v31 =	vld.idx.msk [tilespmem:v5+s30+$0x0], $0xffff;
	_ =	sdelay $0x2  }
0x7a: {  	v6 =	vmul.f32 v35, v35;
	v5 =	vmul.f32 v41, v41;
	_ =	sdelay $0x1  }
0x7b: {  	v5 =	vadd.f32 v6, v5;
	v6 =	vmul.f32 v31, v31;
	_ =	sdelay $0x1  }
0x7c: {  	v5 =	vadd.f32 v6, v5;
	_ =	sdelay $0x1  }
0x7d: {  	[tilespmem:$0x3290] =	vst v5;
	v5 =	vld [tilespmem:$0x1FF70];
	_ =	sdelay $0x7  }
0x7e: {  	v44 =	vld.idx.msk [tilespmem:v5+s30+$0x0], $0xffff  }
0x7f: {  	v5 =	vld [tilespmem:$0x1FF80];
	_ =	sdelay $0x7  }
0x80: {  	v37 =	vld.idx.msk [tilespmem:v5+s30+$0x0], $0xffff  }
0x81: {  	v5 =	vld [tilespmem:$0x1FF90];
	_ =	sdelay $0x7  }
0x82: {  	v32 =	vld.idx.msk [tilespmem:v5+s30+$0x0], $0xffff;
	_ =	sdelay $0x2  }
0x83: {  	v6 =	vmul.f32 v37, v37;
	v5 =	vmul.f32 v44, v44;
	_ =	sdelay $0x1  }
0x84: {  	v5 =	vadd.f32 v6, v5;
	v6 =	vmul.f32 v32, v32;
	_ =	sdelay $0x1  }
0x85: {  	v5 =	vadd.f32 v6, v5;
	_ =	sdelay $0x1  }
0x86: {  	[tilespmem:$0x32A0] =	vst v5;
	v5 =	vld [tilespmem:$0x1FFA0];
	_ =	sdelay $0x7  }
0x87: {  	v46 =	vld.idx.msk [tilespmem:v5+s30+$0x0], $0xffff  }
0x88: {  	v5 =	vld [tilespmem:$0x1FFB0];
	_ =	sdelay $0x7  }
0x89: {  	v39 =	vld.idx.msk [tilespmem:v5+s30+$0x0], $0xffff  }
0x8a: {  	v5 =	vld [tilespmem:$0x1FFC0];
	_ =	sdelay $0x7  }
0x8b: {  	v34 =	vld.idx.msk [tilespmem:v5+s30+$0x0], $0xffff;
	_ =	sdelay $0x2  }
0x8c: {  	v6 =	vmul.f32 v39, v39;
	v5 =	vmul.f32 v46, v46;
	_ =	sdelay $0x1  }
0x8d: {  	v5 =	vadd.f32 v6, v5;
	v6 =	vmul.f32 v34, v34;
	_ =	sdelay $0x1  }
0x8e: {  	v5 =	vadd.f32 v6, v5;
	_ =	sdelay $0x1  }
0x8f: {  	[tilespmem:$0x32B0] =	vst v5;
	v5 =	vld [tilespmem:$0x1FFD0];
	_ =	sdelay $0x7  }
0x90: {  	v48 =	vld.idx.msk [tilespmem:v5+s30+$0x0], $0xffff  }
0x91: {  	v5 =	vld [tilespmem:$0x1FFE0];
	_ =	sdelay $0x7  }
0x92: {  	v43 =	vld.idx.msk [tilespmem:v5+s30+$0x0], $0xffff  }
0x93: {  	v5 =	vld [tilespmem:$0x1FFF0];
	_ =	sdelay $0x7  }
0x94: {  	v36 =	vld.idx.msk [tilespmem:v5+s30+$0x0], $0xffff;
	_ =	sdelay $0x2  }
0x95: {  	v6 =	vmul.f32 v43, v43;
	v5 =	vmul.f32 v48, v48;
	_ =	sdelay $0x1  }
0x96: {  	v5 =	vadd.f32 v6, v5;
	v6 =	vmul.f32 v36, v36;
	_ =	sdelay $0x1  }
0x97: {  	v5 =	vadd.f32 v6, v5;
	_ =	sdelay $0x1  }
0x98: {  	[tilespmem:$0x32C0] =	vst v5  }
0x99: {  	v50 =	vld.idx.msk [tilespmem:v20+s30+$0x0], $0xffff  }
0x9a: {  	v45 =	vld.idx.msk [tilespmem:v21+s30+$0x0], $0xffff;
	_ =	sdelay $0x1  }
0x9b: {  	v40 =	vld.idx.msk [tilespmem:v22+s30+$0x0], $0xffff;
	_ =	sdelay $0x2  }
0x9c: {  	v5 =	vmul.f32 v50, v50;
	v6 =	vmul.f32 v45, v45;
	_ =	sdelay $0x1  }
0x9d: {  	v5 =	vadd.f32 v6, v5;
	v6 =	vmul.f32 v40, v40;
	_ =	sdelay $0x1  }
0x9e: {  	v5 =	vadd.f32 v6, v5;
	_ =	sdelay $0x1  }
0x9f: {  	[tilespmem:$0x32D0] =	vst v5  }
0xa0: {  	v51 =	vld.idx.msk [tilespmem:v23+s30+$0x0], $0xffff  }
0xa1: {  	v47 =	vld.idx.msk [tilespmem:v24+s30+$0x0], $0xffff;
	_ =	sdelay $0x1  }
0xa2: {  	v42 =	vld.idx.msk [tilespmem:v25+s30+$0x0], $0xffff;
	_ =	sdelay $0x2  }
0xa3: {  	v5 =	vmul.f32 v51, v51;
	v6 =	vmul.f32 v47, v47;
	_ =	sdelay $0x1  }
0xa4: {  	v5 =	vadd.f32 v6, v5;
	v6 =	vmul.f32 v42, v42;
	_ =	sdelay $0x1  }
0xa5: {  	v5 =	vadd.f32 v6, v5;
	_ =	sdelay $0x1  }
0xa6: {  	[tilespmem:$0x32E0] =	vst v5  }
0xa7: {  	v54 =	vld.idx.msk [tilespmem:v26+s30+$0x0], $0xffff  }
0xa8: {  	v53 =	vld.idx.msk [tilespmem:v27+s30+$0x0], $0xffff;
	_ =	sdelay $0x1  }
0xa9: {  	v52 =	vld.idx.msk [tilespmem:v28+s30+$0x0], $0xffff;
	_ =	sdelay $0x2  }
0xaa: {  	v5 =	vmul.f32 v54, v54;
	v6 =	vmul.f32 v53, v53;
	_ =	sdelay $0x1  }
0xab: {  	v7 =	vmov s30;
	v5 =	vadd.f32 v6, v5;
	v6 =	vmul.f32 v52, v52;
	_ =	sdelay $0x1  }
0xac: {  	v5 =	vadd.f32 v6, v5;
	_ =	sdelay $0x1  }
0xad: {  	[tilespmem:$0x32F0] =	vst v5  }
0xae: {  	v5 =	vld.idx.msk [tilespmem:v7+s18+$0x0], $0xffff  }
0xaf: {  	v9 =	vld.idx.msk [tilespmem:v7+s17+$0x0], $0xffff  }
0xb0: {  	v63 =	vld.idx.msk [tilespmem:v7+s19+$0x0], $0xffff;
	_ =	sdelay $0x1  }
0xb1: {  	v55 =	vimm.f32 $+Inf;
	v62 =	vimm.f32 $+Inf  }
0xb2: {  	v60 =	vimm.f32 $+Inf;
	v56 =	vld.idx.msk [tilespmem:v7+s20+$0x0], $0xffff;
	v6 =	vmul.f32 v5, v38;
	v7 =	vmul.f32 v5, v54  }
0xb3: {  	v61 =	vimm.f32 $+Inf;
	v8 =	vmul.f32 v5, v41;
	v11 =	vmul.f32 v5, v44  }
0xb4: {  	v12 =	vmul.f32 v5, v46;
	v10 =	vmul.f32 v63, v53;
	v7 =	vadd.f32 v7, v9  }
0xb5: {  	v49 =	vmul.f32 v5, v48;
	v57 =	vmul.f32 v5, v50;
	v6 =	vadd.f32 v6, v9  }
0xb6: {  	v58 =	vmul.f32 v5, v51;
	v5 =	vadd.f32 v10, v7;
	v10 =	vadd.f32 v8, v9  }
0xb7: {  	v15 =	vmul.f32 v56, v52;
	v7 =	vadd.f32 v11, v9;
	v8 =	vadd.f32 v12, v9  }
0xb8: {  	v13 =	vmul.f32 v63, v33;
	v11 =	vadd.f32 v49, v9;
	v12 =	vadd.f32 v57, v9  }
0xb9: {  	v14 =	vmul.f32 v63, v35;
	v9 =	vadd.f32 v58, v9;
	v59 =	vadd.f32 v15, v5  }
0xba: {  	s31 =	simm.s32 $0x1;
	v58 =	vimm.f32 $+Inf;
	v57 =	vimm.f32 $+Inf;
	v15 =	vmul.f32 v63, v37  }
0xbb: {  	s24 =	simm.s32 $0x2;
	v5 =	vmov s31;
	v49 =	vmin.f32 v55, v59;
	v59 =	vimm.f32 $+Inf  }
.LBB2_4:
0xbc: {  	p0 =	sne.s32 s24, $0x7F;
	v6 =	vadd.f32 v13, v6;
	v13 =	vmul.f32 v63, v39;
	v16 =	vmul.f32 v63, v43  }
0xbd: {  	v10 =	vadd.f32 v14, v10;
	v14 =	vmul.f32 v63, v45;
	v63 =	vmul.f32 v63, v47  }
0xbe: {  	v17 =	vmul.f32 v56, v30;
	v7 =	vadd.f32 v15, v7;
	v8 =	vadd.f32 v13, v8  }
0xbf: {  	v13 =	vmul.f32 v56, v31;
	v11 =	vadd.f32 v16, v11;
	v12 =	vadd.f32 v14, v12  }
0xc0: {  	v15 =	vmul.f32 v56, v32;
	v16 =	vmul.f32 v56, v34;
	v9 =	vadd.f32 v63, v9;
	v14 =	vld.idx.msk [tilespmem:v5+s18+$0x0], $0xffff  }
0xc1: {  	v19 =	vmul.f32 v56, v40;
	v6 =	vadd.f32 v17, v6;
	v17 =	vmul.f32 v56, v36;
	v18 =	vld.idx.msk [tilespmem:v5+s17+$0x0], $0xffff  }
0xc2: {  	v7 =	vadd.f32 v15, v7;
	v10 =	vadd.f32 v13, v10;
	v13 =	vmul.f32 v56, v42;
	v63 =	vld.idx.msk [tilespmem:v5+s19+$0x0], $0xffff  }
0xc3: {  	v55 =	vmin.f32 v55, v6;
	v6 =	vadd.f32 v16, v8;
	v8 =	vadd.f32 v17, v11  }
0xc4: {  	v62 =	vmin.f32 v62, v10;
	v9 =	vadd.f32 v13, v9;
	v56 =	vld.idx.msk [tilespmem:v5+s20+$0x0], $0xffff;
	v5 =	vadd.f32 v19, v12  }
0xc5: {  	v60 =	vmin.f32 v60, v7;
	v59 =	vmin.f32 v59, v6;
	v61 =	vmin.f32 v61, v8  }
0xc6: {  	v6 =	vmul.f32 v14, v38;
	v7 =	vmul.f32 v14, v54;
	v58 =	vmin.f32 v58, v5  }
0xc7: {  	v57 =	vmin.f32 v57, v9;
	v8 =	vmul.f32 v14, v44;
	v5 =	vmul.f32 v14, v41  }
0xc8: {  	v9 =	vmul.f32 v14, v46;
	v7 =	vadd.f32 v7, v18;
	v10 =	vmul.f32 v63, v53  }
0xc9: {  	v11 =	vmul.f32 v14, v48;
	v12 =	vmul.f32 v14, v50;
	v6 =	vadd.f32 v6, v18  }
.Ltmp1:
0xca: {  	v16 =	vmul.f32 v14, v51;
	v15 =	vadd.f32 v10, v7;
	v17 =	vmul.f32 v56, v52;
	(pc) =	sbr.rel @p0 .LBB2_4-.Ltmp1, $4  }
0xcb: {  	v13 =	vmul.f32 v63, v33;
	v10 =	vadd.f32 v5, v18;
	v7 =	vadd.f32 v8, v18  }
0xcc: {  	v14 =	vmul.f32 v63, v35;
	v8 =	vadd.f32 v9, v18;
	v17 =	vadd.f32 v17, v15  }
0xcd: {  	v11 =	vadd.f32 v11, v18;
	v12 =	vadd.f32 v12, v18;
	v15 =	vmul.f32 v63, v37  }
0xce: {  	v5 =	vmov s24;
	s24 =	sadd.s32 $0x1, s24;
	v9 =	vadd.f32 v16, v18;
	v49 =	vmin.f32 v49, v17  }
0xcf: {  	v16 =	vmul.f32 v63, v39  }
0xd0: {  	v6 =	vadd.f32 v13, v6;
	v13 =	vmul.f32 v63, v43;
	v17 =	vmul.f32 v63, v45  }
0xd1: {  	v10 =	vadd.f32 v14, v10;
	v14 =	vmul.f32 v63, v47;
	v18 =	vmul.f32 v56, v30  }
0xd2: {  	v7 =	vadd.f32 v15, v7;
	v15 =	vmul.f32 v56, v31;
	v8 =	vadd.f32 v16, v8  }
0xd3: {  	v63 =	vmul.f32 v56, v32;
	v19 =	vld.idx.msk [tilespmem:v5+s19+$0x0], $0xffff;
	v11 =	vadd.f32 v13, v11;
	v12 =	vadd.f32 v17, v12  }
0xd4: {  	v17 =	vmul.f32 v56, v34;
	v9 =	vadd.f32 v14, v9;
	v6 =	vadd.f32 v18, v6  }
0xd5: {  	v16 =	vld.idx.msk [tilespmem:v5+s18+$0x0], $0xffff;
	v14 =	vmul.f32 v56, v36;
	v18 =	vmul.f32 v56, v40;
	v10 =	vadd.f32 v15, v10  }
0xd6: {  	v7 =	vadd.f32 v63, v7;
	v63 =	vmul.f32 v56, v42;
	v6 =	vmin.f32 v55, v6  }
0xd7: {  	v8 =	vadd.f32 v17, v8;
	v11 =	vadd.f32 v14, v11;
	v10 =	vmin.f32 v62, v10  }
0xd8: {  	v15 =	vld.idx.msk [tilespmem:v5+s17+$0x0], $0xffff;
	v12 =	vadd.f32 v18, v12;
	v62 =	vmul.f32 v19, v53;
	v33 =	vmul.f32 v19, v33  }
0xd9: {  	v5 =	vld.idx.msk [tilespmem:v5+s20+$0x0], $0xffff;
	v9 =	vadd.f32 v63, v9;
	v35 =	vmul.f32 v19, v35;
	v37 =	vmul.f32 v19, v37  }
0xda: {  	v7 =	vmin.f32 v60, v7;
	v53 =	vmul.f32 v19, v45;
	v56 =	vmul.f32 v16, v38  }
0xdb: {  	v8 =	vmin.f32 v59, v8;
	v59 =	vmul.f32 v16, v54;
	v60 =	vmul.f32 v16, v41  }
0xdc: {  	v11 =	vmin.f32 v61, v11;
	v18 =	vmul.f32 v16, v44;
	v61 =	vmul.f32 v16, v46  }
0xdd: {  	v12 =	vmin.f32 v58, v12;
	v63 =	vmul.f32 v16, v48;
	v48 =	vmul.f32 v16, v50  }
0xde: {  	v9 =	vmin.f32 v57, v9;
	v16 =	vmul.f32 v16, v51;
	v50 =	vmul.f32 v5, v52  }
0xdf: {  	v51 =	vmul.f32 v19, v39;
	v14 =	vadd.f32 v59, v15;
	v13 =	vadd.f32 v56, v15  }
0xe0: {  	v52 =	vmul.f32 v19, v43;
	v17 =	vadd.f32 v60, v15;
	v18 =	vadd.f32 v18, v15  }
0xe1: {  	v19 =	vmul.f32 v19, v47;
	v38 =	vadd.f32 v61, v15;
	v44 =	vadd.f32 v63, v15  }
0xe2: {  	v30 =	vmul.f32 v5, v30;
	v46 =	vadd.f32 v48, v15;
	v15 =	vadd.f32 v16, v15  }
0xe3: {  	v31 =	vmul.f32 v5, v31;
	v13 =	vadd.f32 v33, v13;
	v17 =	vadd.f32 v35, v17  }
0xe4: {  	v55 =	vmul.f32 v5, v32;
	v18 =	vadd.f32 v37, v18;
	v16 =	vadd.f32 v51, v38  }
0xe5: {  	v57 =	vmul.f32 v5, v34;
	v56 =	vld [tilespmem:$0x3290];
	v33 =	vadd.f32 v52, v44;
	v54 =	vadd.f32 v53, v46  }
0xe6: {  	v58 =	vmul.f32 v5, v40;
	v15 =	vadd.f32 v19, v15;
	v19 =	vld [tilespmem:$0x32A0];
	v13 =	vadd.f32 v30, v13  }
0xe7: {  	v30 =	vmul.f32 v5, v36;
	v17 =	vadd.f32 v31, v17;
	v31 =	vld [tilespmem:$0x32B0];
	v18 =	vadd.f32 v55, v18  }
0xe8: {  	v60 =	vld [tilespmem:$0x32D0];
	v5 =	vmul.f32 v5, v42;
	v16 =	vadd.f32 v57, v16;
	v6 =	vmin.f32 v6, v13  }
0xe9: {  	v59 =	vld [tilespmem:$0x32C0];
	v10 =	vmin.f32 v10, v17;
	v6 =	vadd.f32 v6, v29;
	v29 =	vadd.f32 v30, v33  }
0xea: {  	v7 =	vmin.f32 v7, v18;
	v18 =	vld [tilespmem:$0x32E0];
	v10 =	vadd.f32 v56, v10;
	v30 =	vadd.f32 v58, v54  }
0xeb: {  	v14 =	vadd.f32 v62, v14;
	v8 =	vmin.f32 v8, v16;
	[tilespmem:$0x3000] =	vst v6;
	v6 =	vadd.f32 v19, v7;
	v7 =	vld [tilespmem:$0x32F0]  }
0xec: {  	v5 =	vadd.f32 v5, v15;
	[tilespmem:$0x3010] =	vst v10;
	v8 =	vadd.f32 v31, v8;
	v12 =	vmin.f32 v12, v30  }
0xed: {  	v61 =	vadd.f32 v50, v14;
	v11 =	vmin.f32 v11, v29;
	v62 =	vadd.f32 v60, v12;
	[tilespmem:$0x3020] =	vst v6  }
0xee: {  	v5 =	vmin.f32 v9, v5;
	v6 =	vadd.f32 v59, v11;
	[tilespmem:$0x3030] =	vst v8  }
0xef: {  	v63 =	vmin.f32 v49, v61;
	v5 =	vadd.f32 v18, v5;
	[tilespmem:$0x3050] =	vst v62  }
0xf0: {  	s23 =	sadd.s32 $0x1, s23;
	[tilespmem:$0x3040] =	vst v6;
	v6 =	vadd.f32 v7, v63  }
0xf1: {  	p0 =	sne.s32 s23, s11;
	[tilespmem:$0x3060] =	vst v5  }
.Ltmp2:
0xf2: {  	[tilespmem:$0x3070] =	vst v6;
	(pc) =	sbr.rel @p0 .LBB2_1-.Ltmp2, $4  }
0xf3: {  	[hbm4b:s10+s2] =	stream.linear.scatter [tilespmem:s21], [sflag:$0x2], $0x80, $0x38;
	[tilespmem:$0x3300] =	vst v63  }
0xf4: {  	_ =	swait.ge [sflag:s22], $0x80  }
0xf5: {  	[sflag:s22] =	ssyncset.done $0x0  }
0xf6: {  	[sflag:s22] =	ssyncadd.s32 $0xFFFFFF80  }
0xf7: {  	_ =	sfence.sel $0x180000  }
0xf8: {  	[bflag:$0x0] =	sbarrier.arrive $0xFFFF  }
0xf9: {  	_ =	strace $0x90000047  }
0xfa: {  	s0 =	stileid.u32;
	[bflag:$0x2] =	sbarrier.arrive $0xFFFF  }
0xfb: {  	p0 =	sne.s32 s0, $0x0;
	s0 =	rddreg [dreg:$0x3]  }
0xfc: {  	s0 =	sadd.s32 @!p0 $0x100000, s0  }
0xfd: {  	[sflag:s0] =	ssyncadd.tile.s32 @!p0 $0x1;
	_ =	shalt  }
.Lfunc_end2:
_tile_overlayer_lowered:
.L_overlay_start_2:
0xfe: {  	(tag) =	ssettag $0x2  }
0xff: {  	s0 =	rddreg [dreg:$0x0];
	s2 =	stileid.u32  }
0x100: {  	s1 =	rddreg [dreg:$0x1];
	p0 =	sne.s32 s2, $0x0  }
0x101: {  	s3 =	rddreg [dreg:$0x2];
	[bflag:$0x3] =	sbarrier.arrive $0xFFFF;
	s2 =	simm.s32 @!p0 $0x1C02  }
0x102: {  	[timem:s3], [sflag:s2] =	dma.local @!p0 [hbm:s0], s1  }
0x103: {  	s0 =	simm.s32 @!p0 $0x2  }
0x104: {  	_ =	swait.ge @!p0 [sflag:s0], s1  }
0x105: {  	s1 =	ssub.s32 @!p0 $0x0, s1;
	[sflag:s0] =	ssyncset.done @!p0 $0x0  }
0x106: {  	[sflag:s0] =	ssyncadd.s32 @!p0 s1  }
0x107: {  	[bflag:$0x3] =	sbarrier.arrive $0xFFFF  }
0x108: {  	_ =	shalt  }

</sc_bundles>
